<compile_context>
chip_gen: v7x
topology: tpu7x:2x2x1
jax: 0.10.2.dev20260603
libtpu: 0.0.44.dev20260713+nightly
codegen_flags: <defaults>
</compile_context>

<pallas_src>
import functools

import jax
import jax.numpy as jnp
from jax import lax
from jax.experimental import pallas as pl
from jax.experimental.pallas import tpu as pltpu
from jax.experimental.pallas import tpu_sc as plsc

N = 1_000_000
B = 16_384
L = 16
NC = 2
NS = 16
NW = NC * NS

STEP = 8 * L
CH = 31_232
NPART = 2
PART = CH // NPART
TAIL = N - NW * CH
BUF = 31_872

BPW = B // NW
G_ROWS = BPW // 128

_MESH = plsc.VectorSubcoreMesh(core_axis_name="c", subcore_axis_name="s")

NEG = float("-inf")


@functools.partial(
    pl.kernel,
    out_type=(
        jax.ShapeDtypeStruct((NW, L), jnp.float32),
        jax.ShapeDtypeStruct((NW, G_ROWS, 128), jnp.float32),
    ),
    mesh=_MESH,
    scratch_types=[
        pltpu.VMEM((BUF,), jnp.float32),
        pltpu.VMEM((G_ROWS, 128), jnp.int32),
        pltpu.VMEM((G_ROWS, 128), jnp.float32),
        pltpu.VMEM((L,), jnp.float32),
        pltpu.SemaphoreType.DMA,
        pltpu.SemaphoreType.DMA,
        pltpu.SemaphoreType.DMA,
        pltpu.SemaphoreType.DMA,
    ],
)
def _sc_partials_gather(ids_hbm, logits_hbm, psum_hbm, g_hbm,
                        buf, idx_v, g_v, srow,
                        sem1, sem2, sem3, semg):
    cid = lax.axis_index("c")
    sid = lax.axis_index("s")
    wid = sid * NC + cid
    last = wid == NW - 1
    base = wid * CH

    ci = pltpu.async_copy(ids_hbm.at[wid], idx_v, sem1)

    parts = [
        pltpu.async_copy(logits_hbm.at[pl.ds(base + p * PART, PART)],
                         buf.at[pl.ds(p * PART, PART)], sem2)
        for p in range(NPART)
    ]

    for k in range((BUF - CH) // L):
        buf[pl.ds(CH + k * L, L)] = jnp.full((L,), NEG, jnp.float32)

    @pl.when(last)
    def _():
        pltpu.async_copy(logits_hbm.at[pl.ds(N - TAIL, TAIL)],
                         buf.at[pl.ds(CH, TAIL)], sem3)

    ci.wait()
    gathers = [
        pltpu.async_copy(logits_hbm.at[idx_v.at[j]], g_v.at[j], semg)
        for j in range(G_ROWS)
    ]

    acc = (jnp.zeros((L,), jnp.float32),) * 4
    for p in range(NPART):
        parts[p].wait()
        lo = p * PART
        hi = BUF if p == NPART - 1 else lo + PART
        if p == NPART - 1:
            @pl.when(last)
            def _():
                pltpu.make_async_copy(logits_hbm.at[pl.ds(N - TAIL, TAIL)],
                                      buf.at[pl.ds(CH, TAIL)], sem3).wait()

        @plsc.parallel_loop(lo, hi, step=STEP, carry=acc)
        def acc_(o, c):
            a = list(c)
            for k in range(8):
                a[k % 4] = a[k % 4] + jnp.exp(buf[pl.ds(o + k * L, L)])
            return tuple(a)

        acc = acc_

    s = (acc[0] + acc[1]) + (acc[2] + acc[3])

    srow[...] = s
    pltpu.sync_copy(srow, psum_hbm.at[wid])

    for g in gathers:
        g.wait()
    pltpu.sync_copy(g_v, g_hbm.at[wid])


def _tc_finalize_body(psum_ref, g_ref, out_ref):
    s = jnp.sum(psum_ref[...])
    out_ref[...] = jnp.exp(g_ref[...]) * (1.0 / s)


_tc_finalize = pl.pallas_call(
    _tc_finalize_body,
    out_shape=jax.ShapeDtypeStruct((B // 128, 128), jnp.float32),
)


def kernel(source_ids, source_logits):
    ids = source_ids.astype(jnp.int32).reshape(NW, G_ROWS, 128)
    psum, g = _sc_partials_gather(ids, source_logits)
    out = _tc_finalize(psum, g.reshape(B // 128, 128))
    return out.reshape(B)

# --- scband reference (transcript-rebuilt; emitter-appended) ---
"""Pipeline reference for scband-weighting-model-21680994910268 (READ-ONLY COPY).

The authoritative reference and input builder live on the scoring server;
editing this copy changes nothing except your own understanding.
"""

import jax, jax.numpy as jnp
import numpy as np

NUM_SOURCES = 1000000
BATCH = 16384

def setup_inputs(seed: int = 0) -> dict:
    key = jax.random.key(seed)
    k1, k2 = jax.random.split(key)
    source_ids = jax.random.randint(k1, (BATCH,), 0, NUM_SOURCES, dtype=jnp.int64 if jax.config.jax_enable_x64 else jnp.int32)
    source_logits = jax.random.normal(k2, (NUM_SOURCES,), dtype=jnp.float32)
    return {"source_ids": source_ids, "source_logits": source_logits}

def reference(source_ids, source_logits):
    # weights = softmax(source_logits); return weights[source_ids]
    weights = jax.nn.softmax(source_logits, axis=-1)
    return jnp.take(weights, source_ids, axis=0)

if __name__ == "__main__":
    import jax
    _d = setup_inputs()
    print(jax.jit(kernel)(*tuple(_d.values())))

</pallas_src>

<mosaic_0001>
#map = affine_map<(d0, d1) -> (0, 0, 0)>
#map1 = affine_map<(d0, d1) -> (0)>
#map2 = affine_map<(d0, d1) -> (0, 0)>
module attributes {stable_mosaic.version = 14 : i64} {
  func.func @_sc_partials_gather(%arg0: i32, %arg1: i32, %arg2: memref<32x4x128xi32, #tpu.memory_space<hbm>>, %arg3: memref<1000000xf32, #tpu.memory_space<hbm>>, %arg4: memref<32x16xf32, #tpu.memory_space<hbm>>, %arg5: memref<32x4x128xf32, #tpu.memory_space<hbm>>, %arg6: memref<31872xf32, #tpu.memory_space<vmem>>, %arg7: memref<4x128xi32, #tpu.memory_space<vmem>>, %arg8: memref<4x128xf32, #tpu.memory_space<vmem>>, %arg9: memref<16xf32, #tpu.memory_space<vmem>>, %arg10: memref<!tpu.dma_semaphore, #tpu.memory_space<semaphore_mem>>, %arg11: memref<!tpu.dma_semaphore, #tpu.memory_space<semaphore_mem>>, %arg12: memref<!tpu.dma_semaphore, #tpu.memory_space<semaphore_mem>>, %arg13: memref<!tpu.dma_semaphore, #tpu.memory_space<semaphore_mem>>) attributes {dimension_semantics = [#tpu.dimension_semantics<core_parallel>, #tpu.dimension_semantics<subcore_parallel>], iteration_bounds = array<i64: 2, 16>, scalar_prefetch = 0 : i64, scratch_operands = 8 : i64, tpu.core_type = #tpu.core_type<sc_vector_subcore>, window_params = [{transform_indices = #map}, {transform_indices = #map1}, {transform_indices = #map2}, {transform_indices = #map}]} {
    %mul3A = arith.constant 2 : i32
    %mul3A_0 = arith.muli %arg1, %mul3A : i32
    %add3A = arith.addi %mul3A_0, %arg0 : i32
    %eq3A = arith.constant 31 : i32
    %eq3A_1 = arith.cmpi eq, %add3A, %eq3A : i32
    %mul3A_2 = arith.constant 31232 : i32
    %mul3A_3 = arith.muli %add3A, %mul3A_2 : i32
    %dma_start3A = arith.constant 0 : i32
    %dma_start3A_4 = arith.constant 0 : i32
    %dma_start3A_5 = tpu.memref_slice %arg2[%add3A, %dma_start3A, %dma_start3A_4] : memref<32x4x128xi32, #tpu.memory_space<hbm>> -> memref<1x4x128xi32, #tpu.memory_space<hbm>>
    %dma_start3A_6 = tpu.memref_squeeze %dma_start3A_5 : memref<1x4x128xi32, #tpu.memory_space<hbm>> -> memref<4x128xi32, #tpu.memory_space<hbm>>
    %dma_start3A_7 = arith.constant 0 : i32
    %dma_start3A_8 = arith.constant 0 : i32
    %dma_start3A_9 = tpu.memref_slice %arg2[%add3A, %dma_start3A_7, %dma_start3A_8] : memref<32x4x128xi32, #tpu.memory_space<hbm>> -> memref<1x4x128xi32, #tpu.memory_space<hbm>>
    %dma_start3A_10 = tpu.memref_squeeze %dma_start3A_9 : memref<1x4x128xi32, #tpu.memory_space<hbm>> -> memref<4x128xi32, #tpu.memory_space<hbm>>
    tpu.enqueue_dma source(%dma_start3A_10 : memref<4x128xi32, #tpu.memory_space<hbm>>) target(%arg7 : memref<4x128xi32, #tpu.memory_space<vmem>>) target_semaphore(%arg10 : memref<!tpu.dma_semaphore, #tpu.memory_space<semaphore_mem>>)
    %add3A_11 = arith.constant 0 : i32
    %add3A_12 = arith.addi %mul3A_3, %add3A_11 : i32
    %dma_start3A_13 = arith.constant 0 : i32
    %dma_start3A_14 = tpu.memref_slice %arg6[%dma_start3A_13] : memref<31872xf32, #tpu.memory_space<vmem>> -> memref<15616xf32, #tpu.memory_space<vmem>>
    %dma_start3A_15 = tpu.memref_slice %arg3[%add3A_12] : memref<1000000xf32, #tpu.memory_space<hbm>> -> memref<15616xf32, #tpu.memory_space<hbm>>
    %dma_start3A_16 = arith.constant 0 : i32
    %dma_start3A_17 = tpu.memref_slice %arg6[%dma_start3A_16] : memref<31872xf32, #tpu.memory_space<vmem>> -> memref<15616xf32, #tpu.memory_space<vmem>>
    %dma_start3A_18 = tpu.memref_slice %arg3[%add3A_12] : memref<1000000xf32, #tpu.memory_space<hbm>> -> memref<15616xf32, #tpu.memory_space<hbm>>
    tpu.enqueue_dma source(%dma_start3A_18 : memref<15616xf32, #tpu.memory_space<hbm>>) target(%dma_start3A_17 : memref<15616xf32, #tpu.memory_space<vmem>>) target_semaphore(%arg11 : memref<!tpu.dma_semaphore, #tpu.memory_space<semaphore_mem>>)
    %add3A_19 = arith.constant 15616 : i32
    %add3A_20 = arith.addi %mul3A_3, %add3A_19 : i32
    %dma_start3A_21 = arith.constant 15616 : i32
    %dma_start3A_22 = tpu.memref_slice %arg6[%dma_start3A_21] : memref<31872xf32, #tpu.memory_space<vmem>> -> memref<15616xf32, #tpu.memory_space<vmem>>
    %dma_start3A_23 = tpu.memref_slice %arg3[%add3A_20] : memref<1000000xf32, #tpu.memory_space<hbm>> -> memref<15616xf32, #tpu.memory_space<hbm>>
    %dma_start3A_24 = arith.constant 15616 : i32
    %dma_start3A_25 = tpu.memref_slice %arg6[%dma_start3A_24] : memref<31872xf32, #tpu.memory_space<vmem>> -> memref<15616xf32, #tpu.memory_space<vmem>>
    %dma_start3A_26 = tpu.memref_slice %arg3[%add3A_20] : memref<1000000xf32, #tpu.memory_space<hbm>> -> memref<15616xf32, #tpu.memory_space<hbm>>
    tpu.enqueue_dma source(%dma_start3A_26 : memref<15616xf32, #tpu.memory_space<hbm>>) target(%dma_start3A_25 : memref<15616xf32, #tpu.memory_space<vmem>>) target_semaphore(%arg11 : memref<!tpu.dma_semaphore, #tpu.memory_space<semaphore_mem>>)
    %broadcast_in_dim3A = arith.constant 0xFF800000 : f32
    %broadcast_in_dim3A_27 = vector.broadcast %broadcast_in_dim3A : f32 to vector<16xf32>
    %swap3A = arith.constant 31232 : index
    %swap3A_28 = tpu.vector_load %arg6[%swap3A] {strides = array<i32>} : memref<31872xf32, #tpu.memory_space<vmem>>, vector<16xf32>,
    %swap3A_29 = vector.shape_cast %swap3A_28 : vector<16xf32> to vector<16xf32>
    %swap3A_30 = vector.shape_cast %broadcast_in_dim3A_27 : vector<16xf32> to vector<16xf32>
    tpu.vector_store %arg6[%swap3A], %swap3A_30 {strides = array<i32>} : memref<31872xf32, #tpu.memory_space<vmem>>, vector<16xf32>,
    %broadcast_in_dim3A_31 = arith.constant 0xFF800000 : f32
    %broadcast_in_dim3A_32 = vector.broadcast %broadcast_in_dim3A_31 : f32 to vector<16xf32>
    %swap3A_33 = arith.constant 31248 : index
    %swap3A_34 = tpu.vector_load %arg6[%swap3A_33] {strides = array<i32>} : memref<31872xf32, #tpu.memory_space<vmem>>, vector<16xf32>,
    %swap3A_35 = vector.shape_cast %swap3A_34 : vector<16xf32> to vector<16xf32>
    %swap3A_36 = vector.shape_cast %broadcast_in_dim3A_32 : vector<16xf32> to vector<16xf32>
    tpu.vector_store %arg6[%swap3A_33], %swap3A_36 {strides = array<i32>} : memref<31872xf32, #tpu.memory_space<vmem>>, vector<16xf32>,
    %broadcast_in_dim3A_37 = arith.constant 0xFF800000 : f32
    %broadcast_in_dim3A_38 = vector.broadcast %broadcast_in_dim3A_37 : f32 to vector<16xf32>
    %swap3A_39 = arith.constant 31264 : index
    %swap3A_40 = tpu.vector_load %arg6[%swap3A_39] {strides = array<i32>} : memref<31872xf32, #tpu.memory_space<vmem>>, vector<16xf32>,
    %swap3A_41 = vector.shape_cast %swap3A_40 : vector<16xf32> to vector<16xf32>
    %swap3A_42 = vector.shape_cast %broadcast_in_dim3A_38 : vector<16xf32> to vector<16xf32>
    tpu.vector_store %arg6[%swap3A_39], %swap3A_42 {strides = array<i32>} : memref<31872xf32, #tpu.memory_space<vmem>>, vector<16xf32>,
    %broadcast_in_dim3A_43 = arith.constant 0xFF800000 : f32
    %broadcast_in_dim3A_44 = vector.broadcast %broadcast_in_dim3A_43 : f32 to vector<16xf32>
    %swap3A_45 = arith.constant 31280 : index
    %swap3A_46 = tpu.vector_load %arg6[%swap3A_45] {strides = array<i32>} : memref<31872xf32, #tpu.memory_space<vmem>>, vector<16xf32>,
    %swap3A_47 = vector.shape_cast %swap3A_46 : vector<16xf32> to vector<16xf32>
    %swap3A_48 = vector.shape_cast %broadcast_in_dim3A_44 : vector<16xf32> to vector<16xf32>
    tpu.vector_store %arg6[%swap3A_45], %swap3A_48 {strides = array<i32>} : memref<31872xf32, #tpu.memory_space<vmem>>, vector<16xf32>,
    %broadcast_in_dim3A_49 = arith.constant 0xFF800000 : f32
    %broadcast_in_dim3A_50 = vector.broadcast %broadcast_in_dim3A_49 : f32 to vector<16xf32>
    %swap3A_51 = arith.constant 31296 : index
    %swap3A_52 = tpu.vector_load %arg6[%swap3A_51] {strides = array<i32>} : memref<31872xf32, #tpu.memory_space<vmem>>, vector<16xf32>,
    %swap3A_53 = vector.shape_cast %swap3A_52 : vector<16xf32> to vector<16xf32>
    %swap3A_54 = vector.shape_cast %broadcast_in_dim3A_50 : vector<16xf32> to vector<16xf32>
    tpu.vector_store %arg6[%swap3A_51], %swap3A_54 {strides = array<i32>} : memref<31872xf32, #tpu.memory_space<vmem>>, vector<16xf32>,
    %broadcast_in_dim3A_55 = arith.constant 0xFF800000 : f32
    %broadcast_in_dim3A_56 = vector.broadcast %broadcast_in_dim3A_55 : f32 to vector<16xf32>
    %swap3A_57 = arith.constant 31312 : index
    %swap3A_58 = tpu.vector_load %arg6[%swap3A_57] {strides = array<i32>} : memref<31872xf32, #tpu.memory_space<vmem>>, vector<16xf32>,
    %swap3A_59 = vector.shape_cast %swap3A_58 : vector<16xf32> to vector<16xf32>
    %swap3A_60 = vector.shape_cast %broadcast_in_dim3A_56 : vector<16xf32> to vector<16xf32>
    tpu.vector_store %arg6[%swap3A_57], %swap3A_60 {strides = array<i32>} : memref<31872xf32, #tpu.memory_space<vmem>>, vector<16xf32>,
    %broadcast_in_dim3A_61 = arith.constant 0xFF800000 : f32
    %broadcast_in_dim3A_62 = vector.broadcast %broadcast_in_dim3A_61 : f32 to vector<16xf32>
    %swap3A_63 = arith.constant 31328 : index
    %swap3A_64 = tpu.vector_load %arg6[%swap3A_63] {strides = array<i32>} : memref<31872xf32, #tpu.memory_space<vmem>>, vector<16xf32>,
    %swap3A_65 = vector.shape_cast %swap3A_64 : vector<16xf32> to vector<16xf32>
    %swap3A_66 = vector.shape_cast %broadcast_in_dim3A_62 : vector<16xf32> to vector<16xf32>
    tpu.vector_store %arg6[%swap3A_63], %swap3A_66 {strides = array<i32>} : memref<31872xf32, #tpu.memory_space<vmem>>, vector<16xf32>,
    %broadcast_in_dim3A_67 = arith.constant 0xFF800000 : f32
    %broadcast_in_dim3A_68 = vector.broadcast %broadcast_in_dim3A_67 : f32 to vector<16xf32>
    %swap3A_69 = arith.constant 31344 : index
    %swap3A_70 = tpu.vector_load %arg6[%swap3A_69] {strides = array<i32>} : memref<31872xf32, #tpu.memory_space<vmem>>, vector<16xf32>,
    %swap3A_71 = vector.shape_cast %swap3A_70 : vector<16xf32> to vector<16xf32>
    %swap3A_72 = vector.shape_cast %broadcast_in_dim3A_68 : vector<16xf32> to vector<16xf32>
    tpu.vector_store %arg6[%swap3A_69], %swap3A_72 {strides = array<i32>} : memref<31872xf32, #tpu.memory_space<vmem>>, vector<16xf32>,
    %broadcast_in_dim3A_73 = arith.constant 0xFF800000 : f32
    %broadcast_in_dim3A_74 = vector.broadcast %broadcast_in_dim3A_73 : f32 to vector<16xf32>
    %swap3A_75 = arith.constant 31360 : index
    %swap3A_76 = tpu.vector_load %arg6[%swap3A_75] {strides = array<i32>} : memref<31872xf32, #tpu.memory_space<vmem>>, vector<16xf32>,
    %swap3A_77 = vector.shape_cast %swap3A_76 : vector<16xf32> to vector<16xf32>
    %swap3A_78 = vector.shape_cast %broadcast_in_dim3A_74 : vector<16xf32> to vector<16xf32>
    tpu.vector_store %arg6[%swap3A_75], %swap3A_78 {strides = array<i32>} : memref<31872xf32, #tpu.memory_space<vmem>>, vector<16xf32>,
    %broadcast_in_dim3A_79 = arith.constant 0xFF800000 : f32
    %broadcast_in_dim3A_80 = vector.broadcast %broadcast_in_dim3A_79 : f32 to vector<16xf32>
    %swap3A_81 = arith.constant 31376 : index
    %swap3A_82 = tpu.vector_load %arg6[%swap3A_81] {strides = array<i32>} : memref<31872xf32, #tpu.memory_space<vmem>>, vector<16xf32>,
    %swap3A_83 = vector.shape_cast %swap3A_82 : vector<16xf32> to vector<16xf32>
    %swap3A_84 = vector.shape_cast %broadcast_in_dim3A_80 : vector<16xf32> to vector<16xf32>
    tpu.vector_store %arg6[%swap3A_81], %swap3A_84 {strides = array<i32>} : memref<31872xf32, #tpu.memory_space<vmem>>, vector<16xf32>,
    %broadcast_in_dim3A_85 = arith.constant 0xFF800000 : f32
    %broadcast_in_dim3A_86 = vector.broadcast %broadcast_in_dim3A_85 : f32 to vector<16xf32>
    %swap3A_87 = arith.constant 31392 : index
    %swap3A_88 = tpu.vector_load %arg6[%swap3A_87] {strides = array<i32>} : memref<31872xf32, #tpu.memory_space<vmem>>, vector<16xf32>,
    %swap3A_89 = vector.shape_cast %swap3A_88 : vector<16xf32> to vector<16xf32>
    %swap3A_90 = vector.shape_cast %broadcast_in_dim3A_86 : vector<16xf32> to vector<16xf32>
    tpu.vector_store %arg6[%swap3A_87], %swap3A_90 {strides = array<i32>} : memref<31872xf32, #tpu.memory_space<vmem>>, vector<16xf32>,
    %broadcast_in_dim3A_91 = arith.constant 0xFF800000 : f32
    %broadcast_in_dim3A_92 = vector.broadcast %broadcast_in_dim3A_91 : f32 to vector<16xf32>
    %swap3A_93 = arith.constant 31408 : index
    %swap3A_94 = tpu.vector_load %arg6[%swap3A_93] {strides = array<i32>} : memref<31872xf32, #tpu.memory_space<vmem>>, vector<16xf32>,
    %swap3A_95 = vector.shape_cast %swap3A_94 : vector<16xf32> to vector<16xf32>
    %swap3A_96 = vector.shape_cast %broadcast_in_dim3A_92 : vector<16xf32> to vector<16xf32>
    tpu.vector_store %arg6[%swap3A_93], %swap3A_96 {strides = array<i32>} : memref<31872xf32, #tpu.memory_space<vmem>>, vector<16xf32>,
    %broadcast_in_dim3A_97 = arith.constant 0xFF800000 : f32
    %broadcast_in_dim3A_98 = vector.broadcast %broadcast_in_dim3A_97 : f32 to vector<16xf32>
    %swap3A_99 = arith.constant 31424 : index
    %swap3A_100 = tpu.vector_load %arg6[%swap3A_99] {strides = array<i32>} : memref<31872xf32, #tpu.memory_space<vmem>>, vector<16xf32>,
    %swap3A_101 = vector.shape_cast %swap3A_100 : vector<16xf32> to vector<16xf32>
    %swap3A_102 = vector.shape_cast %broadcast_in_dim3A_98 : vector<16xf32> to vector<16xf32>
    tpu.vector_store %arg6[%swap3A_99], %swap3A_102 {strides = array<i32>} : memref<31872xf32, #tpu.memory_space<vmem>>, vector<16xf32>,
    %broadcast_in_dim3A_103 = arith.constant 0xFF800000 : f32
    %broadcast_in_dim3A_104 = vector.broadcast %broadcast_in_dim3A_103 : f32 to vector<16xf32>
    %swap3A_105 = arith.constant 31440 : index
    %swap3A_106 = tpu.vector_load %arg6[%swap3A_105] {strides = array<i32>} : memref<31872xf32, #tpu.memory_space<vmem>>, vector<16xf32>,
    %swap3A_107 = vector.shape_cast %swap3A_106 : vector<16xf32> to vector<16xf32>
    %swap3A_108 = vector.shape_cast %broadcast_in_dim3A_104 : vector<16xf32> to vector<16xf32>
    tpu.vector_store %arg6[%swap3A_105], %swap3A_108 {strides = array<i32>} : memref<31872xf32, #tpu.memory_space<vmem>>, vector<16xf32>,
    %broadcast_in_dim3A_109 = arith.constant 0xFF800000 : f32
    %broadcast_in_dim3A_110 = vector.broadcast %broadcast_in_dim3A_109 : f32 to vector<16xf32>
    %swap3A_111 = arith.constant 31456 : index
    %swap3A_112 = tpu.vector_load %arg6[%swap3A_111] {strides = array<i32>} : memref<31872xf32, #tpu.memory_space<vmem>>, vector<16xf32>,
    %swap3A_113 = vector.shape_cast %swap3A_112 : vector<16xf32> to vector<16xf32>
    %swap3A_114 = vector.shape_cast %broadcast_in_dim3A_110 : vector<16xf32> to vector<16xf32>
    tpu.vector_store %arg6[%swap3A_111], %swap3A_114 {strides = array<i32>} : memref<31872xf32, #tpu.memory_space<vmem>>, vector<16xf32>,
    %broadcast_in_dim3A_115 = arith.constant 0xFF800000 : f32
    %broadcast_in_dim3A_116 = vector.broadcast %broadcast_in_dim3A_115 : f32 to vector<16xf32>
    %swap3A_117 = arith.constant 31472 : index
    %swap3A_118 = tpu.vector_load %arg6[%swap3A_117] {strides = array<i32>} : memref<31872xf32, #tpu.memory_space<vmem>>, vector<16xf32>,
    %swap3A_119 = vector.shape_cast %swap3A_118 : vector<16xf32> to vector<16xf32>
    %swap3A_120 = vector.shape_cast %broadcast_in_dim3A_116 : vector<16xf32> to vector<16xf32>
    tpu.vector_store %arg6[%swap3A_117], %swap3A_120 {strides = array<i32>} : memref<31872xf32, #tpu.memory_space<vmem>>, vector<16xf32>,
    %broadcast_in_dim3A_121 = arith.constant 0xFF800000 : f32
    %broadcast_in_dim3A_122 = vector.broadcast %broadcast_in_dim3A_121 : f32 to vector<16xf32>
    %swap3A_123 = arith.constant 31488 : index
    %swap3A_124 = tpu.vector_load %arg6[%swap3A_123] {strides = array<i32>} : memref<31872xf32, #tpu.memory_space<vmem>>, vector<16xf32>,
    %swap3A_125 = vector.shape_cast %swap3A_124 : vector<16xf32> to vector<16xf32>
    %swap3A_126 = vector.shape_cast %broadcast_in_dim3A_122 : vector<16xf32> to vector<16xf32>
    tpu.vector_store %arg6[%swap3A_123], %swap3A_126 {strides = array<i32>} : memref<31872xf32, #tpu.memory_space<vmem>>, vector<16xf32>,
    %broadcast_in_dim3A_127 = arith.constant 0xFF800000 : f32
    %broadcast_in_dim3A_128 = vector.broadcast %broadcast_in_dim3A_127 : f32 to vector<16xf32>
    %swap3A_129 = arith.constant 31504 : index
    %swap3A_130 = tpu.vector_load %arg6[%swap3A_129] {strides = array<i32>} : memref<31872xf32, #tpu.memory_space<vmem>>, vector<16xf32>,
    %swap3A_131 = vector.shape_cast %swap3A_130 : vector<16xf32> to vector<16xf32>
    %swap3A_132 = vector.shape_cast %broadcast_in_dim3A_128 : vector<16xf32> to vector<16xf32>
    tpu.vector_store %arg6[%swap3A_129], %swap3A_132 {strides = array<i32>} : memref<31872xf32, #tpu.memory_space<vmem>>, vector<16xf32>,
    %broadcast_in_dim3A_133 = arith.constant 0xFF800000 : f32
    %broadcast_in_dim3A_134 = vector.broadcast %broadcast_in_dim3A_133 : f32 to vector<16xf32>
    %swap3A_135 = arith.constant 31520 : index
    %swap3A_136 = tpu.vector_load %arg6[%swap3A_135] {strides = array<i32>} : memref<31872xf32, #tpu.memory_space<vmem>>, vector<16xf32>,
    %swap3A_137 = vector.shape_cast %swap3A_136 : vector<16xf32> to vector<16xf32>
    %swap3A_138 = vector.shape_cast %broadcast_in_dim3A_134 : vector<16xf32> to vector<16xf32>
    tpu.vector_store %arg6[%swap3A_135], %swap3A_138 {strides = array<i32>} : memref<31872xf32, #tpu.memory_space<vmem>>, vector<16xf32>,
    %broadcast_in_dim3A_139 = arith.constant 0xFF800000 : f32
    %broadcast_in_dim3A_140 = vector.broadcast %broadcast_in_dim3A_139 : f32 to vector<16xf32>
    %swap3A_141 = arith.constant 31536 : index
    %swap3A_142 = tpu.vector_load %arg6[%swap3A_141] {strides = array<i32>} : memref<31872xf32, #tpu.memory_space<vmem>>, vector<16xf32>,
    %swap3A_143 = vector.shape_cast %swap3A_142 : vector<16xf32> to vector<16xf32>
    %swap3A_144 = vector.shape_cast %broadcast_in_dim3A_140 : vector<16xf32> to vector<16xf32>
    tpu.vector_store %arg6[%swap3A_141], %swap3A_144 {strides = array<i32>} : memref<31872xf32, #tpu.memory_space<vmem>>, vector<16xf32>,
    %broadcast_in_dim3A_145 = arith.constant 0xFF800000 : f32
    %broadcast_in_dim3A_146 = vector.broadcast %broadcast_in_dim3A_145 : f32 to vector<16xf32>
    %swap3A_147 = arith.constant 31552 : index
    %swap3A_148 = tpu.vector_load %arg6[%swap3A_147] {strides = array<i32>} : memref<31872xf32, #tpu.memory_space<vmem>>, vector<16xf32>,
    %swap3A_149 = vector.shape_cast %swap3A_148 : vector<16xf32> to vector<16xf32>
    %swap3A_150 = vector.shape_cast %broadcast_in_dim3A_146 : vector<16xf32> to vector<16xf32>
    tpu.vector_store %arg6[%swap3A_147], %swap3A_150 {strides = array<i32>} : memref<31872xf32, #tpu.memory_space<vmem>>, vector<16xf32>,
    %broadcast_in_dim3A_151 = arith.constant 0xFF800000 : f32
    %broadcast_in_dim3A_152 = vector.broadcast %broadcast_in_dim3A_151 : f32 to vector<16xf32>
    %swap3A_153 = arith.constant 31568 : index
    %swap3A_154 = tpu.vector_load %arg6[%swap3A_153] {strides = array<i32>} : memref<31872xf32, #tpu.memory_space<vmem>>, vector<16xf32>,
    %swap3A_155 = vector.shape_cast %swap3A_154 : vector<16xf32> to vector<16xf32>
    %swap3A_156 = vector.shape_cast %broadcast_in_dim3A_152 : vector<16xf32> to vector<16xf32>
    tpu.vector_store %arg6[%swap3A_153], %swap3A_156 {strides = array<i32>} : memref<31872xf32, #tpu.memory_space<vmem>>, vector<16xf32>,
    %broadcast_in_dim3A_157 = arith.constant 0xFF800000 : f32
    %broadcast_in_dim3A_158 = vector.broadcast %broadcast_in_dim3A_157 : f32 to vector<16xf32>
    %swap3A_159 = arith.constant 31584 : index
    %swap3A_160 = tpu.vector_load %arg6[%swap3A_159] {strides = array<i32>} : memref<31872xf32, #tpu.memory_space<vmem>>, vector<16xf32>,
    %swap3A_161 = vector.shape_cast %swap3A_160 : vector<16xf32> to vector<16xf32>
    %swap3A_162 = vector.shape_cast %broadcast_in_dim3A_158 : vector<16xf32> to vector<16xf32>
    tpu.vector_store %arg6[%swap3A_159], %swap3A_162 {strides = array<i32>} : memref<31872xf32, #tpu.memory_space<vmem>>, vector<16xf32>,
    %broadcast_in_dim3A_163 = arith.constant 0xFF800000 : f32
    %broadcast_in_dim3A_164 = vector.broadcast %broadcast_in_dim3A_163 : f32 to vector<16xf32>
    %swap3A_165 = arith.constant 31600 : index
    %swap3A_166 = tpu.vector_load %arg6[%swap3A_165] {strides = array<i32>} : memref<31872xf32, #tpu.memory_space<vmem>>, vector<16xf32>,
    %swap3A_167 = vector.shape_cast %swap3A_166 : vector<16xf32> to vector<16xf32>
    %swap3A_168 = vector.shape_cast %broadcast_in_dim3A_164 : vector<16xf32> to vector<16xf32>
    tpu.vector_store %arg6[%swap3A_165], %swap3A_168 {strides = array<i32>} : memref<31872xf32, #tpu.memory_space<vmem>>, vector<16xf32>,
    %broadcast_in_dim3A_169 = arith.constant 0xFF800000 : f32
    %broadcast_in_dim3A_170 = vector.broadcast %broadcast_in_dim3A_169 : f32 to vector<16xf32>
    %swap3A_171 = arith.constant 31616 : index
    %swap3A_172 = tpu.vector_load %arg6[%swap3A_171] {strides = array<i32>} : memref<31872xf32, #tpu.memory_space<vmem>>, vector<16xf32>,
    %swap3A_173 = vector.shape_cast %swap3A_172 : vector<16xf32> to vector<16xf32>
    %swap3A_174 = vector.shape_cast %broadcast_in_dim3A_170 : vector<16xf32> to vector<16xf32>
    tpu.vector_store %arg6[%swap3A_171], %swap3A_174 {strides = array<i32>} : memref<31872xf32, #tpu.memory_space<vmem>>, vector<16xf32>,
    %broadcast_in_dim3A_175 = arith.constant 0xFF800000 : f32
    %broadcast_in_dim3A_176 = vector.broadcast %broadcast_in_dim3A_175 : f32 to vector<16xf32>
    %swap3A_177 = arith.constant 31632 : index
    %swap3A_178 = tpu.vector_load %arg6[%swap3A_177] {strides = array<i32>} : memref<31872xf32, #tpu.memory_space<vmem>>, vector<16xf32>,
    %swap3A_179 = vector.shape_cast %swap3A_178 : vector<16xf32> to vector<16xf32>
    %swap3A_180 = vector.shape_cast %broadcast_in_dim3A_176 : vector<16xf32> to vector<16xf32>
    tpu.vector_store %arg6[%swap3A_177], %swap3A_180 {strides = array<i32>} : memref<31872xf32, #tpu.memory_space<vmem>>, vector<16xf32>,
    %broadcast_in_dim3A_181 = arith.constant 0xFF800000 : f32
    %broadcast_in_dim3A_182 = vector.broadcast %broadcast_in_dim3A_181 : f32 to vector<16xf32>
    %swap3A_183 = arith.constant 31648 : index
    %swap3A_184 = tpu.vector_load %arg6[%swap3A_183] {strides = array<i32>} : memref<31872xf32, #tpu.memory_space<vmem>>, vector<16xf32>,
    %swap3A_185 = vector.shape_cast %swap3A_184 : vector<16xf32> to vector<16xf32>
    %swap3A_186 = vector.shape_cast %broadcast_in_dim3A_182 : vector<16xf32> to vector<16xf32>
    tpu.vector_store %arg6[%swap3A_183], %swap3A_186 {strides = array<i32>} : memref<31872xf32, #tpu.memory_space<vmem>>, vector<16xf32>,
    %broadcast_in_dim3A_187 = arith.constant 0xFF800000 : f32
    %broadcast_in_dim3A_188 = vector.broadcast %broadcast_in_dim3A_187 : f32 to vector<16xf32>
    %swap3A_189 = arith.constant 31664 : index
    %swap3A_190 = tpu.vector_load %arg6[%swap3A_189] {strides = array<i32>} : memref<31872xf32, #tpu.memory_space<vmem>>, vector<16xf32>,
    %swap3A_191 = vector.shape_cast %swap3A_190 : vector<16xf32> to vector<16xf32>
    %swap3A_192 = vector.shape_cast %broadcast_in_dim3A_188 : vector<16xf32> to vector<16xf32>
    tpu.vector_store %arg6[%swap3A_189], %swap3A_192 {strides = array<i32>} : memref<31872xf32, #tpu.memory_space<vmem>>, vector<16xf32>,
    %broadcast_in_dim3A_193 = arith.constant 0xFF800000 : f32
    %broadcast_in_dim3A_194 = vector.broadcast %broadcast_in_dim3A_193 : f32 to vector<16xf32>
    %swap3A_195 = arith.constant 31680 : index
    %swap3A_196 = tpu.vector_load %arg6[%swap3A_195] {strides = array<i32>} : memref<31872xf32, #tpu.memory_space<vmem>>, vector<16xf32>,
    %swap3A_197 = vector.shape_cast %swap3A_196 : vector<16xf32> to vector<16xf32>
    %swap3A_198 = vector.shape_cast %broadcast_in_dim3A_194 : vector<16xf32> to vector<16xf32>
    tpu.vector_store %arg6[%swap3A_195], %swap3A_198 {strides = array<i32>} : memref<31872xf32, #tpu.memory_space<vmem>>, vector<16xf32>,
    %broadcast_in_dim3A_199 = arith.constant 0xFF800000 : f32
    %broadcast_in_dim3A_200 = vector.broadcast %broadcast_in_dim3A_199 : f32 to vector<16xf32>
    %swap3A_201 = arith.constant 31696 : index
    %swap3A_202 = tpu.vector_load %arg6[%swap3A_201] {strides = array<i32>} : memref<31872xf32, #tpu.memory_space<vmem>>, vector<16xf32>,
    %swap3A_203 = vector.shape_cast %swap3A_202 : vector<16xf32> to vector<16xf32>
    %swap3A_204 = vector.shape_cast %broadcast_in_dim3A_200 : vector<16xf32> to vector<16xf32>
    tpu.vector_store %arg6[%swap3A_201], %swap3A_204 {strides = array<i32>} : memref<31872xf32, #tpu.memory_space<vmem>>, vector<16xf32>,
    %broadcast_in_dim3A_205 = arith.constant 0xFF800000 : f32
    %broadcast_in_dim3A_206 = vector.broadcast %broadcast_in_dim3A_205 : f32 to vector<16xf32>
    %swap3A_207 = arith.constant 31712 : index
    %swap3A_208 = tpu.vector_load %arg6[%swap3A_207] {strides = array<i32>} : memref<31872xf32, #tpu.memory_space<vmem>>, vector<16xf32>,
    %swap3A_209 = vector.shape_cast %swap3A_208 : vector<16xf32> to vector<16xf32>
    %swap3A_210 = vector.shape_cast %broadcast_in_dim3A_206 : vector<16xf32> to vector<16xf32>
    tpu.vector_store %arg6[%swap3A_207], %swap3A_210 {strides = array<i32>} : memref<31872xf32, #tpu.memory_space<vmem>>, vector<16xf32>,
    %broadcast_in_dim3A_211 = arith.constant 0xFF800000 : f32
    %broadcast_in_dim3A_212 = vector.broadcast %broadcast_in_dim3A_211 : f32 to vector<16xf32>
    %swap3A_213 = arith.constant 31728 : index
    %swap3A_214 = tpu.vector_load %arg6[%swap3A_213] {strides = array<i32>} : memref<31872xf32, #tpu.memory_space<vmem>>, vector<16xf32>,
    %swap3A_215 = vector.shape_cast %swap3A_214 : vector<16xf32> to vector<16xf32>
    %swap3A_216 = vector.shape_cast %broadcast_in_dim3A_212 : vector<16xf32> to vector<16xf32>
    tpu.vector_store %arg6[%swap3A_213], %swap3A_216 {strides = array<i32>} : memref<31872xf32, #tpu.memory_space<vmem>>, vector<16xf32>,
    %broadcast_in_dim3A_217 = arith.constant 0xFF800000 : f32
    %broadcast_in_dim3A_218 = vector.broadcast %broadcast_in_dim3A_217 : f32 to vector<16xf32>
    %swap3A_219 = arith.constant 31744 : index
    %swap3A_220 = tpu.vector_load %arg6[%swap3A_219] {strides = array<i32>} : memref<31872xf32, #tpu.memory_space<vmem>>, vector<16xf32>,
    %swap3A_221 = vector.shape_cast %swap3A_220 : vector<16xf32> to vector<16xf32>
    %swap3A_222 = vector.shape_cast %broadcast_in_dim3A_218 : vector<16xf32> to vector<16xf32>
    tpu.vector_store %arg6[%swap3A_219], %swap3A_222 {strides = array<i32>} : memref<31872xf32, #tpu.memory_space<vmem>>, vector<16xf32>,
    %broadcast_in_dim3A_223 = arith.constant 0xFF800000 : f32
    %broadcast_in_dim3A_224 = vector.broadcast %broadcast_in_dim3A_223 : f32 to vector<16xf32>
    %swap3A_225 = arith.constant 31760 : index
    %swap3A_226 = tpu.vector_load %arg6[%swap3A_225] {strides = array<i32>} : memref<31872xf32, #tpu.memory_space<vmem>>, vector<16xf32>,
    %swap3A_227 = vector.shape_cast %swap3A_226 : vector<16xf32> to vector<16xf32>
    %swap3A_228 = vector.shape_cast %broadcast_in_dim3A_224 : vector<16xf32> to vector<16xf32>
    tpu.vector_store %arg6[%swap3A_225], %swap3A_228 {strides = array<i32>} : memref<31872xf32, #tpu.memory_space<vmem>>, vector<16xf32>,
    %broadcast_in_dim3A_229 = arith.constant 0xFF800000 : f32
    %broadcast_in_dim3A_230 = vector.broadcast %broadcast_in_dim3A_229 : f32 to vector<16xf32>
    %swap3A_231 = arith.constant 31776 : index
    %swap3A_232 = tpu.vector_load %arg6[%swap3A_231] {strides = array<i32>} : memref<31872xf32, #tpu.memory_space<vmem>>, vector<16xf32>,
    %swap3A_233 = vector.shape_cast %swap3A_232 : vector<16xf32> to vector<16xf32>
    %swap3A_234 = vector.shape_cast %broadcast_in_dim3A_230 : vector<16xf32> to vector<16xf32>
    tpu.vector_store %arg6[%swap3A_231], %swap3A_234 {strides = array<i32>} : memref<31872xf32, #tpu.memory_space<vmem>>, vector<16xf32>,
    %broadcast_in_dim3A_235 = arith.constant 0xFF800000 : f32
    %broadcast_in_dim3A_236 = vector.broadcast %broadcast_in_dim3A_235 : f32 to vector<16xf32>
    %swap3A_237 = arith.constant 31792 : index
    %swap3A_238 = tpu.vector_load %arg6[%swap3A_237] {strides = array<i32>} : memref<31872xf32, #tpu.memory_space<vmem>>, vector<16xf32>,
    %swap3A_239 = vector.shape_cast %swap3A_238 : vector<16xf32> to vector<16xf32>
    %swap3A_240 = vector.shape_cast %broadcast_in_dim3A_236 : vector<16xf32> to vector<16xf32>
    tpu.vector_store %arg6[%swap3A_237], %swap3A_240 {strides = array<i32>} : memref<31872xf32, #tpu.memory_space<vmem>>, vector<16xf32>,
    %broadcast_in_dim3A_241 = arith.constant 0xFF800000 : f32
    %broadcast_in_dim3A_242 = vector.broadcast %broadcast_in_dim3A_241 : f32 to vector<16xf32>
    %swap3A_243 = arith.constant 31808 : index
    %swap3A_244 = tpu.vector_load %arg6[%swap3A_243] {strides = array<i32>} : memref<31872xf32, #tpu.memory_space<vmem>>, vector<16xf32>,
    %swap3A_245 = vector.shape_cast %swap3A_244 : vector<16xf32> to vector<16xf32>
    %swap3A_246 = vector.shape_cast %broadcast_in_dim3A_242 : vector<16xf32> to vector<16xf32>
    tpu.vector_store %arg6[%swap3A_243], %swap3A_246 {strides = array<i32>} : memref<31872xf32, #tpu.memory_space<vmem>>, vector<16xf32>,
    %broadcast_in_dim3A_247 = arith.constant 0xFF800000 : f32
    %broadcast_in_dim3A_248 = vector.broadcast %broadcast_in_dim3A_247 : f32 to vector<16xf32>
    %swap3A_249 = arith.constant 31824 : index
    %swap3A_250 = tpu.vector_load %arg6[%swap3A_249] {strides = array<i32>} : memref<31872xf32, #tpu.memory_space<vmem>>, vector<16xf32>,
    %swap3A_251 = vector.shape_cast %swap3A_250 : vector<16xf32> to vector<16xf32>
    %swap3A_252 = vector.shape_cast %broadcast_in_dim3A_248 : vector<16xf32> to vector<16xf32>
    tpu.vector_store %arg6[%swap3A_249], %swap3A_252 {strides = array<i32>} : memref<31872xf32, #tpu.memory_space<vmem>>, vector<16xf32>,
    %broadcast_in_dim3A_253 = arith.constant 0xFF800000 : f32
    %broadcast_in_dim3A_254 = vector.broadcast %broadcast_in_dim3A_253 : f32 to vector<16xf32>
    %swap3A_255 = arith.constant 31840 : index
    %swap3A_256 = tpu.vector_load %arg6[%swap3A_255] {strides = array<i32>} : memref<31872xf32, #tpu.memory_space<vmem>>, vector<16xf32>,
    %swap3A_257 = vector.shape_cast %swap3A_256 : vector<16xf32> to vector<16xf32>
    %swap3A_258 = vector.shape_cast %broadcast_in_dim3A_254 : vector<16xf32> to vector<16xf32>
    tpu.vector_store %arg6[%swap3A_255], %swap3A_258 {strides = array<i32>} : memref<31872xf32, #tpu.memory_space<vmem>>, vector<16xf32>,
    %broadcast_in_dim3A_259 = arith.constant 0xFF800000 : f32
    %broadcast_in_dim3A_260 = vector.broadcast %broadcast_in_dim3A_259 : f32 to vector<16xf32>
    %swap3A_261 = arith.constant 31856 : index
    %swap3A_262 = tpu.vector_load %arg6[%swap3A_261] {strides = array<i32>} : memref<31872xf32, #tpu.memory_space<vmem>>, vector<16xf32>,
    %swap3A_263 = vector.shape_cast %swap3A_262 : vector<16xf32> to vector<16xf32>
    %swap3A_264 = vector.shape_cast %broadcast_in_dim3A_260 : vector<16xf32> to vector<16xf32>
    tpu.vector_store %arg6[%swap3A_261], %swap3A_264 {strides = array<i32>} : memref<31872xf32, #tpu.memory_space<vmem>>, vector<16xf32>,
    %convert_element_type3A = arith.extui %eq3A_1 : i1 to i32
    %cond3A = arith.constant 0 : i32
    %cond3A_265 = arith.cmpi ne, %convert_element_type3A, %cond3A : i32
    scf.if %cond3A_265 {
      %dma_start3A_384 = arith.constant 31232 : i32
      %dma_start3A_385 = tpu.memref_slice %arg6[%dma_start3A_384] : memref<31872xf32, #tpu.memory_space<vmem>> -> memref<576xf32, #tpu.memory_space<vmem>>
      %dma_start3A_386 = arith.constant 999424 : i32
      %dma_start3A_387 = tpu.memref_slice %arg3[%dma_start3A_386] : memref<1000000xf32, #tpu.memory_space<hbm>> -> memref<576xf32, #tpu.memory_space<hbm>>
      %dma_start3A_388 = arith.constant 31232 : i32
      %dma_start3A_389 = tpu.memref_slice %arg6[%dma_start3A_388] : memref<31872xf32, #tpu.memory_space<vmem>> -> memref<576xf32, #tpu.memory_space<vmem>>
      %dma_start3A_390 = arith.constant 999424 : i32
      %dma_start3A_391 = tpu.memref_slice %arg3[%dma_start3A_390] : memref<1000000xf32, #tpu.memory_space<hbm>> -> memref<576xf32, #tpu.memory_space<hbm>>
      tpu.enqueue_dma source(%dma_start3A_391 : memref<576xf32, #tpu.memory_space<hbm>>) target(%dma_start3A_389 : memref<576xf32, #tpu.memory_space<vmem>>) target_semaphore(%arg12 : memref<!tpu.dma_semaphore, #tpu.memory_space<semaphore_mem>>)
    } else {
    }
    %dma_wait3A = arith.constant 0 : i32
    %dma_wait3A_266 = arith.constant 0 : i32
    %dma_wait3A_267 = tpu.memref_slice %arg2[%add3A, %dma_wait3A, %dma_wait3A_266] : memref<32x4x128xi32, #tpu.memory_space<hbm>> -> memref<1x4x128xi32, #tpu.memory_space<hbm>>
    %dma_wait3A_268 = tpu.memref_squeeze %dma_wait3A_267 : memref<1x4x128xi32, #tpu.memory_space<hbm>> -> memref<4x128xi32, #tpu.memory_space<hbm>>
    %dma_wait3A_269 = arith.constant 0 : i32
    %dma_wait3A_270 = arith.constant 0 : i32
    %dma_wait3A_271 = tpu.memref_slice %arg2[%add3A, %dma_wait3A_269, %dma_wait3A_270] : memref<32x4x128xi32, #tpu.memory_space<hbm>> -> memref<1x4x128xi32, #tpu.memory_space<hbm>>
    %dma_wait3A_272 = tpu.memref_squeeze %dma_wait3A_271 : memref<1x4x128xi32, #tpu.memory_space<hbm>> -> memref<4x128xi32, #tpu.memory_space<hbm>>
    tpu.wait_dma2 semaphore(%arg10 : memref<!tpu.dma_semaphore, #tpu.memory_space<semaphore_mem>>) src(%dma_wait3A_272 : memref<4x128xi32, #tpu.memory_space<hbm>>) dst(%arg7 : memref<4x128xi32, #tpu.memory_space<vmem>>)
    %dma_start3A_273 = arith.constant 0 : i32
    %dma_start3A_274 = arith.constant 0 : i32
    %dma_start3A_275 = arith.constant 0 : i32
    %dma_start3A_276 = tpu.memref_slice %arg8[%dma_start3A_274, %dma_start3A_275] : memref<4x128xf32, #tpu.memory_space<vmem>> -> memref<1x128xf32, #tpu.memory_space<vmem>>
    %dma_start3A_277 = tpu.memref_squeeze %dma_start3A_276 : memref<1x128xf32, #tpu.memory_space<vmem>> -> memref<128xf32, #tpu.memory_space<vmem>>
    %dma_start3A_278 = arith.constant 0 : i32
    %dma_start3A_279 = tpu.memref_slice %arg7[%dma_start3A_273, %dma_start3A_278] : memref<4x128xi32, #tpu.memory_space<vmem>> -> memref<1x128xi32, #tpu.memory_space<vmem>>
    %dma_start3A_280 = tpu.memref_squeeze %dma_start3A_279 : memref<1x128xi32, #tpu.memory_space<vmem>> -> memref<128xi32, #tpu.memory_space<vmem>>
    %dma_start3A_281 = arith.constant 0 : i32
    %dma_start3A_282 = tpu.memref_slice %arg3[%dma_start3A_281] : memref<1000000xf32, #tpu.memory_space<hbm>> -> memref<1000000xf32, #tpu.memory_space<hbm>>
    tpu.enqueue_indirect_dma source(%dma_start3A_282 : memref<1000000xf32, #tpu.memory_space<hbm>>) target(%dma_start3A_277 : memref<128xf32, #tpu.memory_space<vmem>>) offsets(%dma_start3A_280 : memref<128xi32, #tpu.memory_space<vmem>>) semaphore(%arg13 : memref<!tpu.dma_semaphore, #tpu.memory_space<semaphore_mem>>)
    %dma_start3A_283 = arith.constant 1 : i32
    %dma_start3A_284 = arith.constant 1 : i32
    %dma_start3A_285 = arith.constant 0 : i32
    %dma_start3A_286 = tpu.memref_slice %arg8[%dma_start3A_284, %dma_start3A_285] : memref<4x128xf32, #tpu.memory_space<vmem>> -> memref<1x128xf32, #tpu.memory_space<vmem>>
    %dma_start3A_287 = tpu.memref_squeeze %dma_start3A_286 : memref<1x128xf32, #tpu.memory_space<vmem>> -> memref<128xf32, #tpu.memory_space<vmem>>
    %dma_start3A_288 = arith.constant 0 : i32
    %dma_start3A_289 = tpu.memref_slice %arg7[%dma_start3A_283, %dma_start3A_288] : memref<4x128xi32, #tpu.memory_space<vmem>> -> memref<1x128xi32, #tpu.memory_space<vmem>>
    %dma_start3A_290 = tpu.memref_squeeze %dma_start3A_289 : memref<1x128xi32, #tpu.memory_space<vmem>> -> memref<128xi32, #tpu.memory_space<vmem>>
    %dma_start3A_291 = arith.constant 0 : i32
    %dma_start3A_292 = tpu.memref_slice %arg3[%dma_start3A_291] : memref<1000000xf32, #tpu.memory_space<hbm>> -> memref<1000000xf32, #tpu.memory_space<hbm>>
    tpu.enqueue_indirect_dma source(%dma_start3A_292 : memref<1000000xf32, #tpu.memory_space<hbm>>) target(%dma_start3A_287 : memref<128xf32, #tpu.memory_space<vmem>>) offsets(%dma_start3A_290 : memref<128xi32, #tpu.memory_space<vmem>>) semaphore(%arg13 : memref<!tpu.dma_semaphore, #tpu.memory_space<semaphore_mem>>)
    %dma_start3A_293 = arith.constant 2 : i32
    %dma_start3A_294 = arith.constant 2 : i32
    %dma_start3A_295 = arith.constant 0 : i32
    %dma_start3A_296 = tpu.memref_slice %arg8[%dma_start3A_294, %dma_start3A_295] : memref<4x128xf32, #tpu.memory_space<vmem>> -> memref<1x128xf32, #tpu.memory_space<vmem>>
    %dma_start3A_297 = tpu.memref_squeeze %dma_start3A_296 : memref<1x128xf32, #tpu.memory_space<vmem>> -> memref<128xf32, #tpu.memory_space<vmem>>
    %dma_start3A_298 = arith.constant 0 : i32
    %dma_start3A_299 = tpu.memref_slice %arg7[%dma_start3A_293, %dma_start3A_298] : memref<4x128xi32, #tpu.memory_space<vmem>> -> memref<1x128xi32, #tpu.memory_space<vmem>>
    %dma_start3A_300 = tpu.memref_squeeze %dma_start3A_299 : memref<1x128xi32, #tpu.memory_space<vmem>> -> memref<128xi32, #tpu.memory_space<vmem>>
    %dma_start3A_301 = arith.constant 0 : i32
    %dma_start3A_302 = tpu.memref_slice %arg3[%dma_start3A_301] : memref<1000000xf32, #tpu.memory_space<hbm>> -> memref<1000000xf32, #tpu.memory_space<hbm>>
    tpu.enqueue_indirect_dma source(%dma_start3A_302 : memref<1000000xf32, #tpu.memory_space<hbm>>) target(%dma_start3A_297 : memref<128xf32, #tpu.memory_space<vmem>>) offsets(%dma_start3A_300 : memref<128xi32, #tpu.memory_space<vmem>>) semaphore(%arg13 : memref<!tpu.dma_semaphore, #tpu.memory_space<semaphore_mem>>)
    %dma_start3A_303 = arith.constant 3 : i32
    %dma_start3A_304 = arith.constant 3 : i32
    %dma_start3A_305 = arith.constant 0 : i32
    %dma_start3A_306 = tpu.memref_slice %arg8[%dma_start3A_304, %dma_start3A_305] : memref<4x128xf32, #tpu.memory_space<vmem>> -> memref<1x128xf32, #tpu.memory_space<vmem>>
    %dma_start3A_307 = tpu.memref_squeeze %dma_start3A_306 : memref<1x128xf32, #tpu.memory_space<vmem>> -> memref<128xf32, #tpu.memory_space<vmem>>
    %dma_start3A_308 = arith.constant 0 : i32
    %dma_start3A_309 = tpu.memref_slice %arg7[%dma_start3A_303, %dma_start3A_308] : memref<4x128xi32, #tpu.memory_space<vmem>> -> memref<1x128xi32, #tpu.memory_space<vmem>>
    %dma_start3A_310 = tpu.memref_squeeze %dma_start3A_309 : memref<1x128xi32, #tpu.memory_space<vmem>> -> memref<128xi32, #tpu.memory_space<vmem>>
    %dma_start3A_311 = arith.constant 0 : i32
    %dma_start3A_312 = tpu.memref_slice %arg3[%dma_start3A_311] : memref<1000000xf32, #tpu.memory_space<hbm>> -> memref<1000000xf32, #tpu.memory_space<hbm>>
    tpu.enqueue_indirect_dma source(%dma_start3A_312 : memref<1000000xf32, #tpu.memory_space<hbm>>) target(%dma_start3A_307 : memref<128xf32, #tpu.memory_space<vmem>>) offsets(%dma_start3A_310 : memref<128xi32, #tpu.memory_space<vmem>>) semaphore(%arg13 : memref<!tpu.dma_semaphore, #tpu.memory_space<semaphore_mem>>)
    %broadcast_in_dim3A_313 = arith.constant 0.000000e+00 : f32
    %broadcast_in_dim3A_314 = vector.broadcast %broadcast_in_dim3A_313 : f32 to vector<16xf32>
    %dma_wait3A_315 = arith.constant 0 : i32
    %dma_wait3A_316 = tpu.memref_slice %arg6[%dma_wait3A_315] : memref<31872xf32, #tpu.memory_space<vmem>> -> memref<15616xf32, #tpu.memory_space<vmem>>
    %dma_wait3A_317 = tpu.memref_slice %arg3[%add3A_12] : memref<1000000xf32, #tpu.memory_space<hbm>> -> memref<15616xf32, #tpu.memory_space<hbm>>
    %dma_wait3A_318 = arith.constant 0 : i32
    %dma_wait3A_319 = tpu.memref_slice %arg6[%dma_wait3A_318] : memref<31872xf32, #tpu.memory_space<vmem>> -> memref<15616xf32, #tpu.memory_space<vmem>>
    %dma_wait3A_320 = tpu.memref_slice %arg3[%add3A_12] : memref<1000000xf32, #tpu.memory_space<hbm>> -> memref<15616xf32, #tpu.memory_space<hbm>>
    tpu.wait_dma2 semaphore(%arg11 : memref<!tpu.dma_semaphore, #tpu.memory_space<semaphore_mem>>) src(%dma_wait3A_320 : memref<15616xf32, #tpu.memory_space<hbm>>) dst(%dma_wait3A_319 : memref<15616xf32, #tpu.memory_space<vmem>>)
    %parallel_loop3A = arith.constant 0 : i32
    %parallel_loop3A_321 = arith.constant 15616 : i32
    %parallel_loop3A_322 = arith.constant 128 : i32
    %parallel_loop3A_323:4 = scf.for %parallel_loop3A_384 = %parallel_loop3A to %parallel_loop3A_321 step %parallel_loop3A_322 iter_args(%parallel_loop3A_385 = %broadcast_in_dim3A_314, %parallel_loop3A_386 = %broadcast_in_dim3A_314, %parallel_loop3A_387 = %broadcast_in_dim3A_314, %parallel_loop3A_388 = %broadcast_in_dim3A_314) -> (vector<16xf32>, vector<16xf32>, vector<16xf32>, vector<16xf32>)  : i32 {
      %parallel_loop3A_389 = arith.constant 0 : i32
      %parallel_loop3A_390 = arith.addi %parallel_loop3A_384, %parallel_loop3A_389 : i32
      %parallel_loop3A_391 = arith.index_cast %parallel_loop3A_390 : i32 to index
      %parallel_loop3A_392 = tpu.vector_load %arg6[%parallel_loop3A_391] {strides = array<i32>} : memref<31872xf32, #tpu.memory_space<vmem>>, vector<16xf32>,
      %parallel_loop3A_393 = vector.shape_cast %parallel_loop3A_392 : vector<16xf32> to vector<16xf32>
      %parallel_loop3A_394 = math.exp %parallel_loop3A_393 : vector<16xf32>
      %parallel_loop3A_395 = arith.addf %parallel_loop3A_385, %parallel_loop3A_394 : vector<16xf32>
      %parallel_loop3A_396 = arith.constant 16 : i32
      %parallel_loop3A_397 = arith.addi %parallel_loop3A_384, %parallel_loop3A_396 : i32
      %parallel_loop3A_398 = arith.index_cast %parallel_loop3A_397 : i32 to index
      %parallel_loop3A_399 = tpu.vector_load %arg6[%parallel_loop3A_398] {strides = array<i32>} : memref<31872xf32, #tpu.memory_space<vmem>>, vector<16xf32>,
      %parallel_loop3A_400 = vector.shape_cast %parallel_loop3A_399 : vector<16xf32> to vector<16xf32>
      %parallel_loop3A_401 = math.exp %parallel_loop3A_400 : vector<16xf32>
      %parallel_loop3A_402 = arith.addf %parallel_loop3A_386, %parallel_loop3A_401 : vector<16xf32>
      %parallel_loop3A_403 = arith.constant 32 : i32
      %parallel_loop3A_404 = arith.addi %parallel_loop3A_384, %parallel_loop3A_403 : i32
      %parallel_loop3A_405 = arith.index_cast %parallel_loop3A_404 : i32 to index
      %parallel_loop3A_406 = tpu.vector_load %arg6[%parallel_loop3A_405] {strides = array<i32>} : memref<31872xf32, #tpu.memory_space<vmem>>, vector<16xf32>,
      %parallel_loop3A_407 = vector.shape_cast %parallel_loop3A_406 : vector<16xf32> to vector<16xf32>
      %parallel_loop3A_408 = math.exp %parallel_loop3A_407 : vector<16xf32>
      %parallel_loop3A_409 = arith.addf %parallel_loop3A_387, %parallel_loop3A_408 : vector<16xf32>
      %parallel_loop3A_410 = arith.constant 48 : i32
      %parallel_loop3A_411 = arith.addi %parallel_loop3A_384, %parallel_loop3A_410 : i32
      %parallel_loop3A_412 = arith.index_cast %parallel_loop3A_411 : i32 to index
      %parallel_loop3A_413 = tpu.vector_load %arg6[%parallel_loop3A_412] {strides = array<i32>} : memref<31872xf32, #tpu.memory_space<vmem>>, vector<16xf32>,
      %parallel_loop3A_414 = vector.shape_cast %parallel_loop3A_413 : vector<16xf32> to vector<16xf32>
      %parallel_loop3A_415 = math.exp %parallel_loop3A_414 : vector<16xf32>
      %parallel_loop3A_416 = arith.addf %parallel_loop3A_388, %parallel_loop3A_415 : vector<16xf32>
      %parallel_loop3A_417 = arith.constant 64 : i32
      %parallel_loop3A_418 = arith.addi %parallel_loop3A_384, %parallel_loop3A_417 : i32
      %parallel_loop3A_419 = arith.index_cast %parallel_loop3A_418 : i32 to index
      %parallel_loop3A_420 = tpu.vector_load %arg6[%parallel_loop3A_419] {strides = array<i32>} : memref<31872xf32, #tpu.memory_space<vmem>>, vector<16xf32>,
      %parallel_loop3A_421 = vector.shape_cast %parallel_loop3A_420 : vector<16xf32> to vector<16xf32>
      %parallel_loop3A_422 = math.exp %parallel_loop3A_421 : vector<16xf32>
      %parallel_loop3A_423 = arith.addf %parallel_loop3A_395, %parallel_loop3A_422 : vector<16xf32>
      %parallel_loop3A_424 = arith.constant 80 : i32
      %parallel_loop3A_425 = arith.addi %parallel_loop3A_384, %parallel_loop3A_424 : i32
      %parallel_loop3A_426 = arith.index_cast %parallel_loop3A_425 : i32 to index
      %parallel_loop3A_427 = tpu.vector_load %arg6[%parallel_loop3A_426] {strides = array<i32>} : memref<31872xf32, #tpu.memory_space<vmem>>, vector<16xf32>,
      %parallel_loop3A_428 = vector.shape_cast %parallel_loop3A_427 : vector<16xf32> to vector<16xf32>
      %parallel_loop3A_429 = math.exp %parallel_loop3A_428 : vector<16xf32>
      %parallel_loop3A_430 = arith.addf %parallel_loop3A_402, %parallel_loop3A_429 : vector<16xf32>
      %parallel_loop3A_431 = arith.constant 96 : i32
      %parallel_loop3A_432 = arith.addi %parallel_loop3A_384, %parallel_loop3A_431 : i32
      %parallel_loop3A_433 = arith.index_cast %parallel_loop3A_432 : i32 to index
      %parallel_loop3A_434 = tpu.vector_load %arg6[%parallel_loop3A_433] {strides = array<i32>} : memref<31872xf32, #tpu.memory_space<vmem>>, vector<16xf32>,
      %parallel_loop3A_435 = vector.shape_cast %parallel_loop3A_434 : vector<16xf32> to vector<16xf32>
      %parallel_loop3A_436 = math.exp %parallel_loop3A_435 : vector<16xf32>
      %parallel_loop3A_437 = arith.addf %parallel_loop3A_409, %parallel_loop3A_436 : vector<16xf32>
      %parallel_loop3A_438 = arith.constant 112 : i32
      %parallel_loop3A_439 = arith.addi %parallel_loop3A_384, %parallel_loop3A_438 : i32
      %parallel_loop3A_440 = arith.index_cast %parallel_loop3A_439 : i32 to index
      %parallel_loop3A_441 = tpu.vector_load %arg6[%parallel_loop3A_440] {strides = array<i32>} : memref<31872xf32, #tpu.memory_space<vmem>>, vector<16xf32>,
      %parallel_loop3A_442 = vector.shape_cast %parallel_loop3A_441 : vector<16xf32> to vector<16xf32>
      %parallel_loop3A_443 = math.exp %parallel_loop3A_442 : vector<16xf32>
      %parallel_loop3A_444 = arith.addf %parallel_loop3A_416, %parallel_loop3A_443 : vector<16xf32>
      scf.yield %parallel_loop3A_423, %parallel_loop3A_430, %parallel_loop3A_437, %parallel_loop3A_444 : vector<16xf32>, vector<16xf32>, vector<16xf32>, vector<16xf32>
    } {sc.loop_unroll_factor = 1 : i64, sc.parallel_access}
    %dma_wait3A_324 = arith.constant 15616 : i32
    %dma_wait3A_325 = tpu.memref_slice %arg6[%dma_wait3A_324] : memref<31872xf32, #tpu.memory_space<vmem>> -> memref<15616xf32, #tpu.memory_space<vmem>>
    %dma_wait3A_326 = tpu.memref_slice %arg3[%add3A_20] : memref<1000000xf32, #tpu.memory_space<hbm>> -> memref<15616xf32, #tpu.memory_space<hbm>>
    %dma_wait3A_327 = arith.constant 15616 : i32
    %dma_wait3A_328 = tpu.memref_slice %arg6[%dma_wait3A_327] : memref<31872xf32, #tpu.memory_space<vmem>> -> memref<15616xf32, #tpu.memory_space<vmem>>
    %dma_wait3A_329 = tpu.memref_slice %arg3[%add3A_20] : memref<1000000xf32, #tpu.memory_space<hbm>> -> memref<15616xf32, #tpu.memory_space<hbm>>
    tpu.wait_dma2 semaphore(%arg11 : memref<!tpu.dma_semaphore, #tpu.memory_space<semaphore_mem>>) src(%dma_wait3A_329 : memref<15616xf32, #tpu.memory_space<hbm>>) dst(%dma_wait3A_328 : memref<15616xf32, #tpu.memory_space<vmem>>)
    %convert_element_type3A_330 = arith.extui %eq3A_1 : i1 to i32
    %cond3A_331 = arith.constant 0 : i32
    %cond3A_332 = arith.cmpi ne, %convert_element_type3A_330, %cond3A_331 : i32
    scf.if %cond3A_332 {
      %dma_wait3A_384 = arith.constant 31232 : i32
      %dma_wait3A_385 = tpu.memref_slice %arg6[%dma_wait3A_384] : memref<31872xf32, #tpu.memory_space<vmem>> -> memref<576xf32, #tpu.memory_space<vmem>>
      %dma_wait3A_386 = arith.constant 999424 : i32
      %dma_wait3A_387 = tpu.memref_slice %arg3[%dma_wait3A_386] : memref<1000000xf32, #tpu.memory_space<hbm>> -> memref<576xf32, #tpu.memory_space<hbm>>
      %dma_wait3A_388 = arith.constant 31232 : i32
      %dma_wait3A_389 = tpu.memref_slice %arg6[%dma_wait3A_388] : memref<31872xf32, #tpu.memory_space<vmem>> -> memref<576xf32, #tpu.memory_space<vmem>>
      %dma_wait3A_390 = arith.constant 999424 : i32
      %dma_wait3A_391 = tpu.memref_slice %arg3[%dma_wait3A_390] : memref<1000000xf32, #tpu.memory_space<hbm>> -> memref<576xf32, #tpu.memory_space<hbm>>
      tpu.wait_dma2 semaphore(%arg12 : memref<!tpu.dma_semaphore, #tpu.memory_space<semaphore_mem>>) src(%dma_wait3A_391 : memref<576xf32, #tpu.memory_space<hbm>>) dst(%dma_wait3A_389 : memref<576xf32, #tpu.memory_space<vmem>>)
    } else {
    }
    %parallel_loop3A_333 = arith.constant 15616 : i32
    %parallel_loop3A_334 = arith.constant 31872 : i32
    %parallel_loop3A_335 = arith.constant 128 : i32
    %parallel_loop3A_336:4 = scf.for %parallel_loop3A_384 = %parallel_loop3A_333 to %parallel_loop3A_334 step %parallel_loop3A_335 iter_args(%parallel_loop3A_385 = %parallel_loop3A_323#0, %parallel_loop3A_386 = %parallel_loop3A_323#1, %parallel_loop3A_387 = %parallel_loop3A_323#2, %parallel_loop3A_388 = %parallel_loop3A_323#3) -> (vector<16xf32>, vector<16xf32>, vector<16xf32>, vector<16xf32>)  : i32 {
      %parallel_loop3A_389 = arith.constant 0 : i32
      %parallel_loop3A_390 = arith.addi %parallel_loop3A_384, %parallel_loop3A_389 : i32
      %parallel_loop3A_391 = arith.index_cast %parallel_loop3A_390 : i32 to index
      %parallel_loop3A_392 = tpu.vector_load %arg6[%parallel_loop3A_391] {strides = array<i32>} : memref<31872xf32, #tpu.memory_space<vmem>>, vector<16xf32>,
      %parallel_loop3A_393 = vector.shape_cast %parallel_loop3A_392 : vector<16xf32> to vector<16xf32>
      %parallel_loop3A_394 = math.exp %parallel_loop3A_393 : vector<16xf32>
      %parallel_loop3A_395 = arith.addf %parallel_loop3A_385, %parallel_loop3A_394 : vector<16xf32>
      %parallel_loop3A_396 = arith.constant 16 : i32
      %parallel_loop3A_397 = arith.addi %parallel_loop3A_384, %parallel_loop3A_396 : i32
      %parallel_loop3A_398 = arith.index_cast %parallel_loop3A_397 : i32 to index
      %parallel_loop3A_399 = tpu.vector_load %arg6[%parallel_loop3A_398] {strides = array<i32>} : memref<31872xf32, #tpu.memory_space<vmem>>, vector<16xf32>,
      %parallel_loop3A_400 = vector.shape_cast %parallel_loop3A_399 : vector<16xf32> to vector<16xf32>
      %parallel_loop3A_401 = math.exp %parallel_loop3A_400 : vector<16xf32>
      %parallel_loop3A_402 = arith.addf %parallel_loop3A_386, %parallel_loop3A_401 : vector<16xf32>
      %parallel_loop3A_403 = arith.constant 32 : i32
      %parallel_loop3A_404 = arith.addi %parallel_loop3A_384, %parallel_loop3A_403 : i32
      %parallel_loop3A_405 = arith.index_cast %parallel_loop3A_404 : i32 to index
      %parallel_loop3A_406 = tpu.vector_load %arg6[%parallel_loop3A_405] {strides = array<i32>} : memref<31872xf32, #tpu.memory_space<vmem>>, vector<16xf32>,
      %parallel_loop3A_407 = vector.shape_cast %parallel_loop3A_406 : vector<16xf32> to vector<16xf32>
      %parallel_loop3A_408 = math.exp %parallel_loop3A_407 : vector<16xf32>
      %parallel_loop3A_409 = arith.addf %parallel_loop3A_387, %parallel_loop3A_408 : vector<16xf32>
      %parallel_loop3A_410 = arith.constant 48 : i32
      %parallel_loop3A_411 = arith.addi %parallel_loop3A_384, %parallel_loop3A_410 : i32
      %parallel_loop3A_412 = arith.index_cast %parallel_loop3A_411 : i32 to index
      %parallel_loop3A_413 = tpu.vector_load %arg6[%parallel_loop3A_412] {strides = array<i32>} : memref<31872xf32, #tpu.memory_space<vmem>>, vector<16xf32>,
      %parallel_loop3A_414 = vector.shape_cast %parallel_loop3A_413 : vector<16xf32> to vector<16xf32>
      %parallel_loop3A_415 = math.exp %parallel_loop3A_414 : vector<16xf32>
      %parallel_loop3A_416 = arith.addf %parallel_loop3A_388, %parallel_loop3A_415 : vector<16xf32>
      %parallel_loop3A_417 = arith.constant 64 : i32
      %parallel_loop3A_418 = arith.addi %parallel_loop3A_384, %parallel_loop3A_417 : i32
      %parallel_loop3A_419 = arith.index_cast %parallel_loop3A_418 : i32 to index
      %parallel_loop3A_420 = tpu.vector_load %arg6[%parallel_loop3A_419] {strides = array<i32>} : memref<31872xf32, #tpu.memory_space<vmem>>, vector<16xf32>,
      %parallel_loop3A_421 = vector.shape_cast %parallel_loop3A_420 : vector<16xf32> to vector<16xf32>
      %parallel_loop3A_422 = math.exp %parallel_loop3A_421 : vector<16xf32>
      %parallel_loop3A_423 = arith.addf %parallel_loop3A_395, %parallel_loop3A_422 : vector<16xf32>
      %parallel_loop3A_424 = arith.constant 80 : i32
      %parallel_loop3A_425 = arith.addi %parallel_loop3A_384, %parallel_loop3A_424 : i32
      %parallel_loop3A_426 = arith.index_cast %parallel_loop3A_425 : i32 to index
      %parallel_loop3A_427 = tpu.vector_load %arg6[%parallel_loop3A_426] {strides = array<i32>} : memref<31872xf32, #tpu.memory_space<vmem>>, vector<16xf32>,
      %parallel_loop3A_428 = vector.shape_cast %parallel_loop3A_427 : vector<16xf32> to vector<16xf32>
      %parallel_loop3A_429 = math.exp %parallel_loop3A_428 : vector<16xf32>
      %parallel_loop3A_430 = arith.addf %parallel_loop3A_402, %parallel_loop3A_429 : vector<16xf32>
      %parallel_loop3A_431 = arith.constant 96 : i32
      %parallel_loop3A_432 = arith.addi %parallel_loop3A_384, %parallel_loop3A_431 : i32
      %parallel_loop3A_433 = arith.index_cast %parallel_loop3A_432 : i32 to index
      %parallel_loop3A_434 = tpu.vector_load %arg6[%parallel_loop3A_433] {strides = array<i32>} : memref<31872xf32, #tpu.memory_space<vmem>>, vector<16xf32>,
      %parallel_loop3A_435 = vector.shape_cast %parallel_loop3A_434 : vector<16xf32> to vector<16xf32>
      %parallel_loop3A_436 = math.exp %parallel_loop3A_435 : vector<16xf32>
      %parallel_loop3A_437 = arith.addf %parallel_loop3A_409, %parallel_loop3A_436 : vector<16xf32>
      %parallel_loop3A_438 = arith.constant 112 : i32
      %parallel_loop3A_439 = arith.addi %parallel_loop3A_384, %parallel_loop3A_438 : i32
      %parallel_loop3A_440 = arith.index_cast %parallel_loop3A_439 : i32 to index
      %parallel_loop3A_441 = tpu.vector_load %arg6[%parallel_loop3A_440] {strides = array<i32>} : memref<31872xf32, #tpu.memory_space<vmem>>, vector<16xf32>,
      %parallel_loop3A_442 = vector.shape_cast %parallel_loop3A_441 : vector<16xf32> to vector<16xf32>
      %parallel_loop3A_443 = math.exp %parallel_loop3A_442 : vector<16xf32>
      %parallel_loop3A_444 = arith.addf %parallel_loop3A_416, %parallel_loop3A_443 : vector<16xf32>
      scf.yield %parallel_loop3A_423, %parallel_loop3A_430, %parallel_loop3A_437, %parallel_loop3A_444 : vector<16xf32>, vector<16xf32>, vector<16xf32>, vector<16xf32>
    } {sc.loop_unroll_factor = 1 : i64, sc.parallel_access}
    %add3A_337 = arith.addf %parallel_loop3A_336#0, %parallel_loop3A_336#1 : vector<16xf32>
    %add3A_338 = arith.addf %parallel_loop3A_336#2, %parallel_loop3A_336#3 : vector<16xf32>
    %add3A_339 = arith.addf %add3A_337, %add3A_338 : vector<16xf32>
    %swap3A_340 = arith.constant 0 : index
    %swap3A_341 = tpu.vector_load %arg9[%swap3A_340] {strides = array<i32>} : memref<16xf32, #tpu.memory_space<vmem>>, vector<16xf32>,
    %swap3A_342 = vector.shape_cast %swap3A_341 : vector<16xf32> to vector<16xf32>
    %swap3A_343 = vector.shape_cast %add3A_339 : vector<16xf32> to vector<16xf32>
    tpu.vector_store %arg9[%swap3A_340], %swap3A_343 {strides = array<i32>} : memref<16xf32, #tpu.memory_space<vmem>>, vector<16xf32>,
    "tpu.region"() ({
      %run_scoped3A = tpu.sem_alloc : memref<!tpu.dma_semaphore, #tpu.memory_space<semaphore_mem>>
      %dma_start3A_384 = arith.constant 0 : i32
      %dma_start3A_385 = tpu.memref_slice %arg4[%add3A, %dma_start3A_384] : memref<32x16xf32, #tpu.memory_space<hbm>> -> memref<1x16xf32, #tpu.memory_space<hbm>>
      %dma_start3A_386 = tpu.memref_squeeze %dma_start3A_385 : memref<1x16xf32, #tpu.memory_space<hbm>> -> memref<16xf32, #tpu.memory_space<hbm>>
      %dma_start3A_387 = arith.constant 0 : i32
      %dma_start3A_388 = tpu.memref_slice %arg4[%add3A, %dma_start3A_387] : memref<32x16xf32, #tpu.memory_space<hbm>> -> memref<1x16xf32, #tpu.memory_space<hbm>>
      %dma_start3A_389 = tpu.memref_squeeze %dma_start3A_388 : memref<1x16xf32, #tpu.memory_space<hbm>> -> memref<16xf32, #tpu.memory_space<hbm>>
      tpu.enqueue_dma source(%arg9 : memref<16xf32, #tpu.memory_space<vmem>>) target(%dma_start3A_389 : memref<16xf32, #tpu.memory_space<hbm>>) target_semaphore(%run_scoped3A : memref<!tpu.dma_semaphore, #tpu.memory_space<semaphore_mem>>)
      %dma_wait3A_390 = arith.constant 0 : i32
      %dma_wait3A_391 = tpu.memref_slice %arg4[%add3A, %dma_wait3A_390] : memref<32x16xf32, #tpu.memory_space<hbm>> -> memref<1x16xf32, #tpu.memory_space<hbm>>
      %dma_wait3A_392 = tpu.memref_squeeze %dma_wait3A_391 : memref<1x16xf32, #tpu.memory_space<hbm>> -> memref<16xf32, #tpu.memory_space<hbm>>
      %dma_wait3A_393 = arith.constant 0 : i32
      %dma_wait3A_394 = tpu.memref_slice %arg4[%add3A, %dma_wait3A_393] : memref<32x16xf32, #tpu.memory_space<hbm>> -> memref<1x16xf32, #tpu.memory_space<hbm>>
      %dma_wait3A_395 = tpu.memref_squeeze %dma_wait3A_394 : memref<1x16xf32, #tpu.memory_space<hbm>> -> memref<16xf32, #tpu.memory_space<hbm>>
      tpu.wait_dma2 semaphore(%run_scoped3A : memref<!tpu.dma_semaphore, #tpu.memory_space<semaphore_mem>>) src(%arg9 : memref<16xf32, #tpu.memory_space<vmem>>) dst(%dma_wait3A_395 : memref<16xf32, #tpu.memory_space<hbm>>)
      tpu.yield
    }) : () -> ()
    %dma_wait3A_344 = arith.constant 0 : i32
    %dma_wait3A_345 = arith.constant 0 : i32
    %dma_wait3A_346 = arith.constant 0 : i32
    %dma_wait3A_347 = tpu.memref_slice %arg8[%dma_wait3A_345, %dma_wait3A_346] : memref<4x128xf32, #tpu.memory_space<vmem>> -> memref<1x128xf32, #tpu.memory_space<vmem>>
    %dma_wait3A_348 = tpu.memref_squeeze %dma_wait3A_347 : memref<1x128xf32, #tpu.memory_space<vmem>> -> memref<128xf32, #tpu.memory_space<vmem>>
    %dma_wait3A_349 = arith.constant 0 : i32
    %dma_wait3A_350 = tpu.memref_slice %arg7[%dma_wait3A_344, %dma_wait3A_349] : memref<4x128xi32, #tpu.memory_space<vmem>> -> memref<1x128xi32, #tpu.memory_space<vmem>>
    %dma_wait3A_351 = tpu.memref_squeeze %dma_wait3A_350 : memref<1x128xi32, #tpu.memory_space<vmem>> -> memref<128xi32, #tpu.memory_space<vmem>>
    %dma_wait3A_352 = arith.constant 0 : i32
    %dma_wait3A_353 = tpu.memref_slice %arg3[%dma_wait3A_352] : memref<1000000xf32, #tpu.memory_space<hbm>> -> memref<1000000xf32, #tpu.memory_space<hbm>>
    tpu.wait_indirect_dma semaphore(%arg13 : memref<!tpu.dma_semaphore, #tpu.memory_space<semaphore_mem>>) src(%dma_wait3A_353 : memref<1000000xf32, #tpu.memory_space<hbm>>) dst(%dma_wait3A_348 : memref<128xf32, #tpu.memory_space<vmem>>)
    %dma_wait3A_354 = arith.constant 1 : i32
    %dma_wait3A_355 = arith.constant 1 : i32
    %dma_wait3A_356 = arith.constant 0 : i32
    %dma_wait3A_357 = tpu.memref_slice %arg8[%dma_wait3A_355, %dma_wait3A_356] : memref<4x128xf32, #tpu.memory_space<vmem>> -> memref<1x128xf32, #tpu.memory_space<vmem>>
    %dma_wait3A_358 = tpu.memref_squeeze %dma_wait3A_357 : memref<1x128xf32, #tpu.memory_space<vmem>> -> memref<128xf32, #tpu.memory_space<vmem>>
    %dma_wait3A_359 = arith.constant 0 : i32
    %dma_wait3A_360 = tpu.memref_slice %arg7[%dma_wait3A_354, %dma_wait3A_359] : memref<4x128xi32, #tpu.memory_space<vmem>> -> memref<1x128xi32, #tpu.memory_space<vmem>>
    %dma_wait3A_361 = tpu.memref_squeeze %dma_wait3A_360 : memref<1x128xi32, #tpu.memory_space<vmem>> -> memref<128xi32, #tpu.memory_space<vmem>>
    %dma_wait3A_362 = arith.constant 0 : i32
    %dma_wait3A_363 = tpu.memref_slice %arg3[%dma_wait3A_362] : memref<1000000xf32, #tpu.memory_space<hbm>> -> memref<1000000xf32, #tpu.memory_space<hbm>>
    tpu.wait_indirect_dma semaphore(%arg13 : memref<!tpu.dma_semaphore, #tpu.memory_space<semaphore_mem>>) src(%dma_wait3A_363 : memref<1000000xf32, #tpu.memory_space<hbm>>) dst(%dma_wait3A_358 : memref<128xf32, #tpu.memory_space<vmem>>)
    %dma_wait3A_364 = arith.constant 2 : i32
    %dma_wait3A_365 = arith.constant 2 : i32
    %dma_wait3A_366 = arith.constant 0 : i32
    %dma_wait3A_367 = tpu.memref_slice %arg8[%dma_wait3A_365, %dma_wait3A_366] : memref<4x128xf32, #tpu.memory_space<vmem>> -> memref<1x128xf32, #tpu.memory_space<vmem>>
    %dma_wait3A_368 = tpu.memref_squeeze %dma_wait3A_367 : memref<1x128xf32, #tpu.memory_space<vmem>> -> memref<128xf32, #tpu.memory_space<vmem>>
    %dma_wait3A_369 = arith.constant 0 : i32
    %dma_wait3A_370 = tpu.memref_slice %arg7[%dma_wait3A_364, %dma_wait3A_369] : memref<4x128xi32, #tpu.memory_space<vmem>> -> memref<1x128xi32, #tpu.memory_space<vmem>>
    %dma_wait3A_371 = tpu.memref_squeeze %dma_wait3A_370 : memref<1x128xi32, #tpu.memory_space<vmem>> -> memref<128xi32, #tpu.memory_space<vmem>>
    %dma_wait3A_372 = arith.constant 0 : i32
    %dma_wait3A_373 = tpu.memref_slice %arg3[%dma_wait3A_372] : memref<1000000xf32, #tpu.memory_space<hbm>> -> memref<1000000xf32, #tpu.memory_space<hbm>>
    tpu.wait_indirect_dma semaphore(%arg13 : memref<!tpu.dma_semaphore, #tpu.memory_space<semaphore_mem>>) src(%dma_wait3A_373 : memref<1000000xf32, #tpu.memory_space<hbm>>) dst(%dma_wait3A_368 : memref<128xf32, #tpu.memory_space<vmem>>)
    %dma_wait3A_374 = arith.constant 3 : i32
    %dma_wait3A_375 = arith.constant 3 : i32
    %dma_wait3A_376 = arith.constant 0 : i32
    %dma_wait3A_377 = tpu.memref_slice %arg8[%dma_wait3A_375, %dma_wait3A_376] : memref<4x128xf32, #tpu.memory_space<vmem>> -> memref<1x128xf32, #tpu.memory_space<vmem>>
    %dma_wait3A_378 = tpu.memref_squeeze %dma_wait3A_377 : memref<1x128xf32, #tpu.memory_space<vmem>> -> memref<128xf32, #tpu.memory_space<vmem>>
    %dma_wait3A_379 = arith.constant 0 : i32
    %dma_wait3A_380 = tpu.memref_slice %arg7[%dma_wait3A_374, %dma_wait3A_379] : memref<4x128xi32, #tpu.memory_space<vmem>> -> memref<1x128xi32, #tpu.memory_space<vmem>>
    %dma_wait3A_381 = tpu.memref_squeeze %dma_wait3A_380 : memref<1x128xi32, #tpu.memory_space<vmem>> -> memref<128xi32, #tpu.memory_space<vmem>>
    %dma_wait3A_382 = arith.constant 0 : i32
    %dma_wait3A_383 = tpu.memref_slice %arg3[%dma_wait3A_382] : memref<1000000xf32, #tpu.memory_space<hbm>> -> memref<1000000xf32, #tpu.memory_space<hbm>>
    tpu.wait_indirect_dma semaphore(%arg13 : memref<!tpu.dma_semaphore, #tpu.memory_space<semaphore_mem>>) src(%dma_wait3A_383 : memref<1000000xf32, #tpu.memory_space<hbm>>) dst(%dma_wait3A_378 : memref<128xf32, #tpu.memory_space<vmem>>)
    "tpu.region"() ({
      %run_scoped3A = tpu.sem_alloc : memref<!tpu.dma_semaphore, #tpu.memory_space<semaphore_mem>>
      %dma_start3A_384 = arith.constant 0 : i32
      %dma_start3A_385 = arith.constant 0 : i32
      %dma_start3A_386 = tpu.memref_slice %arg5[%add3A, %dma_start3A_384, %dma_start3A_385] : memref<32x4x128xf32, #tpu.memory_space<hbm>> -> memref<1x4x128xf32, #tpu.memory_space<hbm>>
      %dma_start3A_387 = tpu.memref_squeeze %dma_start3A_386 : memref<1x4x128xf32, #tpu.memory_space<hbm>> -> memref<4x128xf32, #tpu.memory_space<hbm>>
      %dma_start3A_388 = arith.constant 0 : i32
      %dma_start3A_389 = arith.constant 0 : i32
      %dma_start3A_390 = tpu.memref_slice %arg5[%add3A, %dma_start3A_388, %dma_start3A_389] : memref<32x4x128xf32, #tpu.memory_space<hbm>> -> memref<1x4x128xf32, #tpu.memory_space<hbm>>
      %dma_start3A_391 = tpu.memref_squeeze %dma_start3A_390 : memref<1x4x128xf32, #tpu.memory_space<hbm>> -> memref<4x128xf32, #tpu.memory_space<hbm>>
      tpu.enqueue_dma source(%arg8 : memref<4x128xf32, #tpu.memory_space<vmem>>) target(%dma_start3A_391 : memref<4x128xf32, #tpu.memory_space<hbm>>) target_semaphore(%run_scoped3A : memref<!tpu.dma_semaphore, #tpu.memory_space<semaphore_mem>>)
      %dma_wait3A_392 = arith.constant 0 : i32
      %dma_wait3A_393 = arith.constant 0 : i32
      %dma_wait3A_394 = tpu.memref_slice %arg5[%add3A, %dma_wait3A_392, %dma_wait3A_393] : memref<32x4x128xf32, #tpu.memory_space<hbm>> -> memref<1x4x128xf32, #tpu.memory_space<hbm>>
      %dma_wait3A_395 = tpu.memref_squeeze %dma_wait3A_394 : memref<1x4x128xf32, #tpu.memory_space<hbm>> -> memref<4x128xf32, #tpu.memory_space<hbm>>
      %dma_wait3A_396 = arith.constant 0 : i32
      %dma_wait3A_397 = arith.constant 0 : i32
      %dma_wait3A_398 = tpu.memref_slice %arg5[%add3A, %dma_wait3A_396, %dma_wait3A_397] : memref<32x4x128xf32, #tpu.memory_space<hbm>> -> memref<1x4x128xf32, #tpu.memory_space<hbm>>
      %dma_wait3A_399 = tpu.memref_squeeze %dma_wait3A_398 : memref<1x4x128xf32, #tpu.memory_space<hbm>> -> memref<4x128xf32, #tpu.memory_space<hbm>>
      tpu.wait_dma2 semaphore(%run_scoped3A : memref<!tpu.dma_semaphore, #tpu.memory_space<semaphore_mem>>) src(%arg8 : memref<4x128xf32, #tpu.memory_space<vmem>>) dst(%dma_wait3A_399 : memref<4x128xf32, #tpu.memory_space<hbm>>)
      tpu.yield
    }) : () -> ()
    return
  }
}

module attributes {stable_mosaic.version = 14 : i64} {
  func.func @_tc_finalize_body(%arg0: memref<32x16xf32, #tpu.memory_space<vmem>>, %arg1: memref<128x128xf32, #tpu.memory_space<vmem>>, %arg2: memref<128x128xf32, #tpu.memory_space<vmem>>) attributes {dimension_semantics = [], scalar_prefetch = 0 : i64, scratch_operands = 0 : i64, tpu.core_type = #tpu.core_type<tc>} {
    %get3A = arith.constant 0 : index
    %get3A_0 = arith.constant 0 : index
    %get3A_1 = vector.load %arg0[%get3A, %get3A_0] : memref<32x16xf32, #tpu.memory_space<vmem>>, vector<32x16xf32>
    %reduce_sum3A = vector.shape_cast %get3A_1 : vector<32x16xf32> to vector<1x32x16xf32>
    %reduce_sum3A_2 = arith.constant dense<0.000000e+00> : vector<1xf32>
    %reduce_sum3A_3 = vector.multi_reduction <add>, %reduce_sum3A, %reduce_sum3A_2 [1, 2] : vector<1x32x16xf32> to vector<1xf32>
    %reduce_sum3A_4 = vector.shape_cast %reduce_sum3A_3 : vector<1xf32> to vector<1x1x1xf32>
    %reduce_sum3A_5 = vector.extract %reduce_sum3A_4[0, 0, 0] : f32 from vector<1x1x1xf32>
    %get3A_6 = arith.constant 0 : index
    %get3A_7 = arith.constant 0 : index
    %get3A_8 = vector.load %arg1[%get3A_6, %get3A_7] : memref<128x128xf32, #tpu.memory_space<vmem>>, vector<128x128xf32>
    %exp3A = math.exp %get3A_8 : vector<128x128xf32>
    %div3A = arith.constant 1.000000e+00 : f32
    %div3A_9 = arith.divf %div3A, %reduce_sum3A_5 : f32
    %mul3A = vector.broadcast %div3A_9 : f32 to vector<128x128xf32>
    %mul3A_10 = arith.mulf %exp3A, %mul3A : vector<128x128xf32>
    %swap3A = arith.constant 0 : index
    %swap3A_11 = arith.constant 0 : index
    %swap3A_12 = vector.load %arg2[%swap3A, %swap3A_11] : memref<128x128xf32, #tpu.memory_space<vmem>>, vector<128x128xf32>
    tpu.vector_store %arg2[%swap3A, %swap3A_11], %mul3A_10 {strides = array<i32>} : memref<128x128xf32, #tpu.memory_space<vmem>>, vector<128x128xf32>,
    return
  }
}

</mosaic_0001>

<sc_bundles>
// kernel: kernel.4.cloned.1.call-start
scs
__scs_entry_jumppad:
0x0: {  	(pc) =	sbr.rel $0x88, $3  }
0x1: {  	(tag) =	ssettag $0x0;
	lr =	simm.s32 $0x1  }
0x2: {  	[smem:$0x3F9F] =	sst lr;
	_ =	strace $0xD0000000  }
0x3: {  	_ = 	snop  }
0x4: {  	_ = 	snop  }
0x5: {  	_ = 	snop  }
0x6: {  	_ = 	snop  }
0x7: {  	_ = 	snop  }
__scs_overlays_trampoline_lowered:
0x8: {  	[smem:$0x3FAE] =	sst s0  }
0x9: {  	[smem:$0x3FAF] =	sst s1  }
0xa: {  	[smem:$0x3FB0] =	sst s2  }
0xb: {  	[smem:$0x3FB1] =	sst s3  }
0xc: {  	[smem:$0x3FB2] =	sst s4  }
0xd: {  	[smem:$0x3FB3] =	sst s5  }
0xe: {  	[smem:$0x3FB4] =	sst s6  }
0xf: {  	[smem:$0x3FB5] =	sst s7  }
0x10: {  	[smem:$0x3FB6] =	sst s8  }
0x11: {  	[smem:$0x3FB7] =	sst s9;
	s0 =	simm.s32 @!p0 $0x0  }
0x12: {  	s1 =	sld [smem:$0x3F9D];
	s0 =	simm.s32 @p0 $0x1  }
0x13: {  	[smem:$0x3FB8] =	sst s0;
	s0 =	simm.s32 @!p1 $0x0  }
0x14: {  	s2 =	sld [smem:$0x3F9C];
	s0 =	simm.s32 @p1 $0x1  }
0x15: {  	[smem:$0x3FB9] =	sst s0;
	s0 =	simm.s32 @!p2 $0x0  }
0x16: {  	s3 =	sld [smem:$0x3FDB];
	s0 =	simm.s32 @p2 $0x1  }
0x17: {  	s4 =	simm.s32 $0x1BF5;
	[smem:$0x3FBB] =	sst s0  }
0x18: {  	s0 =	sld [smem:$0x3F9E];
	_ =	swait.ge [sflag:s4], $0x0  }
0x19: {  	s7 =	sld [smem:$0x3F9F]  }
0x1a: {  	s8 =	sadd.s32 $0xFFFFE003, lr  }
0x1b: {  	s9 =	sadd.s32 $0xFFFFFEF7, lr;
	s5 =	simm.s32 $0xFFFFFFFF;
	p2 =	slt.u32 s8, $0xFFFFF086  }
0x1c: {  	p1 =	slt.u32 s9, $0xF7A;
	s5 =	simm.s32 @!p2 $0x0  }
0x1d: {  	s5 =	simm.s32 @p1 $0x1;
	p0 =	seq.s32 s7, s2  }
0x1e: {  	s7 =	smul.u32 @!p0 $0xF7A, s2;
	p2 =	seq.s32 @!p0 s5, $0x0  }
0x1f: {  	s9 =	smul.u32 $0xF7A, s1;
	s8 =	simm.s32 @!p0 $0x1BF5;
	p2 =	por !p2, p0  }
0x20: {  	[sflag:s8] =	ssyncset.s32 @!p0 $0xFFFFF086;
	s6 =	sadd.s32 @!p0 s3, s7;
	s7 =	simm.s32 @!p0 $0x108  }
0x21: {  	s3 =	sadd.s32 s3, s9;
	s6 =	sadd.s32 @!p0 $0x88, s6;
	s7 =	simm.s32 @p2 $0x1082  }
0x22: {  	[simem:s7], [sflag:s8] =	dma.local @!p0 [hbm:s6], $0xF7A  }
0x23: {  	s9 =	sor.u32 $0xD0000000, s2;
	s6 =	simm.s32 $0x108;
	_ =	swait.ge @!p0 [sflag:s8], $0x0  }
0x24: {  	s3 =	sadd.s32 $0x88, s3;
	s6 =	simm.s32 @!p1 $0x1082;
	[sflag:s4] =	ssyncset.s32 $0xFFFFF086  }
0x25: {  	[simem:s6], [sflag:s4] =	dma.local [hbm:s3], $0xF7A  }
0x26: {  	[smem:$0x3F9F] =	sst s1;
	(tag) =	ssettag s2;
	_ =	strace s9  }
0x27: {  	s1 =	sld [smem:$0x3FAF]  }
0x28: {  	s2 =	sld [smem:$0x3FB0]  }
0x29: {  	s4 =	sld [smem:$0x3FB2]  }
0x2a: {  	p0 =	seq.s32 s5, $0x0;
	s5 =	sld [smem:$0x3FB3]  }
0x2b: {  	s6 =	sld [smem:$0x3FB4]  }
0x2c: {  	s7 =	sld [smem:$0x3FB5]  }
0x2d: {  	s3 =	simm.s32 $0x108;
	s8 =	sld [smem:$0x3FB6]  }
0x2e: {  	s3 =	simm.s32 @!p0 $0x1082;
	s9 =	sld [smem:$0x3FB7]  }
0x2f: {  	lr =	sadd.s32 s0, s3;
	s0 =	sld [smem:$0x3FAE]  }
0x30: {  	s3 =	sld [smem:$0x3FB1]  }
0x31: {  	[smem:$0x3FBA] =	sst s10  }
0x32: {  	s10 =	sld [smem:$0x3FB8];
	_ =	sdelay $0x3  }
0x33: {  	p0 =	seq.s32 s10, $0x1;
	s10 =	sld [smem:$0x3FBA];
	_ =	sdelay $0x3  }
0x34: {  	[smem:$0x3FBA] =	sst s10  }
0x35: {  	s10 =	sld [smem:$0x3FB9];
	_ =	sdelay $0x3  }
0x36: {  	p1 =	seq.s32 s10, $0x1;
	s10 =	sld [smem:$0x3FBA];
	_ =	sdelay $0x3  }
0x37: {  	[smem:$0x3FBA] =	sst s10  }
0x38: {  	s10 =	sld [smem:$0x3FBB]  }
0x39: {  	_ = 	snop;
	(pc) =	sbr.ind lr, $3  }
0x3a: {  	_ = 	snop  }
0x3b: {  	_ = 	snop  }
0x3c: {  	p2 =	seq.s32 s10, $0x1;
	s10 =	sld [smem:$0x3FBA]  }
0x3d: {  	_ =	shalt  }
0x3e: {  	_ =	shalt  }
0x3f: {  	_ =	shalt  }
0x40: {  	_ =	shalt  }
0x41: {  	_ =	shalt  }
0x42: {  	_ =	shalt  }
0x43: {  	_ =	shalt  }
0x44: {  	_ =	shalt  }
0x45: {  	_ =	shalt  }
0x46: {  	_ =	shalt  }
0x47: {  	_ =	shalt  }
0x48: {  	_ =	shalt  }
0x49: {  	_ =	shalt  }
0x4a: {  	_ =	shalt  }
0x4b: {  	_ =	shalt  }
0x4c: {  	_ =	shalt  }
0x4d: {  	_ =	shalt  }
0x4e: {  	_ =	shalt  }
0x4f: {  	_ =	shalt  }
0x50: {  	_ =	shalt  }
0x51: {  	_ =	shalt  }
0x52: {  	_ =	shalt  }
0x53: {  	_ =	shalt  }
0x54: {  	_ =	shalt  }
0x55: {  	_ =	shalt  }
0x56: {  	_ =	shalt  }
0x57: {  	_ =	shalt  }
0x58: {  	_ =	shalt  }
0x59: {  	_ =	shalt  }
0x5a: {  	_ =	shalt  }
0x5b: {  	_ =	shalt  }
0x5c: {  	_ =	shalt  }
0x5d: {  	_ =	shalt  }
0x5e: {  	_ =	shalt  }
0x5f: {  	_ =	shalt  }
0x60: {  	_ =	shalt  }
0x61: {  	_ =	shalt  }
0x62: {  	_ =	shalt  }
0x63: {  	_ =	shalt  }
0x64: {  	_ =	shalt  }
0x65: {  	_ =	shalt  }
0x66: {  	_ =	shalt  }
0x67: {  	_ =	shalt  }
0x68: {  	_ =	shalt  }
0x69: {  	_ =	shalt  }
0x6a: {  	_ =	shalt  }
0x6b: {  	_ =	shalt  }
0x6c: {  	_ =	shalt  }
0x6d: {  	_ =	shalt  }
0x6e: {  	_ =	shalt  }
0x6f: {  	_ =	shalt  }
0x70: {  	_ =	shalt  }
0x71: {  	_ =	shalt  }
0x72: {  	_ =	shalt  }
0x73: {  	_ =	shalt  }
0x74: {  	_ =	shalt  }
0x75: {  	_ =	shalt  }
0x76: {  	_ =	shalt  }
0x77: {  	_ =	shalt  }
0x78: {  	_ =	shalt  }
0x79: {  	_ =	shalt  }
0x7a: {  	_ =	shalt  }
0x7b: {  	_ =	shalt  }
0x7c: {  	_ =	shalt  }
0x7d: {  	_ =	shalt  }
0x7e: {  	_ =	shalt  }
0x7f: {  	_ =	shalt  }
0x80: {  	_ =	shalt  }
0x81: {  	_ =	shalt  }
0x82: {  	_ =	shalt  }
0x83: {  	_ =	shalt  }
0x84: {  	_ =	shalt  }
0x85: {  	_ =	shalt  }
0x86: {  	_ =	shalt  }
0x87: {  	_ =	shalt  }
.Lfunc_end0:
.L_simem_size_0:
called_computation_lowered:
.L_overlay_start_0:
0x88: {  	s2 =	sld [smem:$0x3FD9]  }
0x89: {  	s3 =	sld [smem:$0x3FFE];
	_ =	sdelay $0x1  }
0x8a: {  	s1 =	srdreg.scid  }
0x8b: {  	s0 =	sand.u32 $0x1, s1  }
0x8c: {  	s17 =	sshll.u32 s0, $0xA;
	s2 =	sadd.s32 s3, s2  }
0x8d: {  	s2 =	sadd.s32 s2, s17  }
0x8e: {  	[smem:$0x3FC6] =	sst s2  }
0x8f: {  	_ = 	snop  }
0x90: {  	s2 =	sld [smem:$0x3FC9]  }
0x91: {  	s18 =	sld [smem:$0x3FC8]  }
0x92: {  	s4 =	sld [smem:$0x3FD0];
	(tm) =	ssettm $0x1  }
0x93: {  	s5 =	sld [smem:$0x3FFB];
	_ =	sdelay $0x3  }
0x94: {  	_ =	strace s5  }
0x95: {  	s5 =	sld [smem:$0x3FFC];
	_ =	sdelay $0x3  }
0x96: {  	_ =	strace s5  }
0x97: {  	s5 =	sld [smem:$0x3FFD];
	_ =	sdelay $0x3  }
0x98: {  	_ =	strace s5  }
0x99: {  	_ =	strace $0x8FFFFFFF  }
0x9a: {  	s19 =	sld [smem:$0x3FDB];
	_ =	sdelay $0x1  }
0x9b: {  	s6 =	simm.s32 $_scs_section_size  }
0x9c: {  	s7 =	simm.s32 $_size__tile_overlayer_lowered;
	s8 =	simm.s32 $_tile_overlayer_lowered  }
0x9d: {  	s22 =	simm.s32 $0x1BFF;
	s21 =	sshll.u32 s8, $0x1;
	s5 =	sadd.s32 s6, s19  }
0x9e: {  	s9 =	simm.s32 $0x0;
	s20 =	sshll.u32 s7, $0x1;
	s7 =	sadd.s32 s21, s5  }
0x9f: {  	[timem:s9], [sflag:s22] =	dma.local [hbm:s7], s20  }
0xa0: {  	_ =	swait.ge [sflag:s22], s20  }
0xa1: {  	s6 =	ssub.s32 $0x0, s20;
	[sflag:s22] =	ssyncset.done $0x0  }
0xa2: {  	[sflag:s22] =	ssyncadd.s32 s6;
	_ =	sdelay $0x1  }
0xa3: {  	s23 =	simm.s32 $0x1B8B  }
0xa4: {  	_ =	swait.ge [sflag:s23], $0x1  }
0xa5: {  	[sflag:s23] =	ssyncset.done $0x0  }
0xa6: {  	s25 =	simm.s32 $0x1B8E;
	s24 =	sld [smem:$0x3FFE];
	[sflag:s23] =	ssyncadd.s32 $0xFFFFFFFF  }
0xa7: {  	s26 =	simm.s32 $execute0_lowered;
	[smem:$0x3FD2] =	sst s25  }
0xa8: {  	s7 =	sshll.u32 s26, $0x1;
	_ =	strace $0x80000046;
	[dreg:$0x1] =	wrdreg $0xFFFFFFFF  }
0xa9: {  	s28 =	simm.s32 $_size_execute0_lowered;
	s5 =	sadd.s32 s5, s7;
	[dreg:$0x0] =	wrdreg $0x0  }
0xaa: {  	s7 =	sshll.u32 s28, $0x1;
	[dreg:$0x2] =	wrdreg s5  }
0xab: {  	[dreg:$0x3] =	wrdreg s7  }
0xac: {  	[dreg:$0x4] =	wrdreg $0xC0  }
0xad: {  	_ =	task [dreg:s9], $0x5FFFF  }
0xae: {  	[dreg:$0x1] =	wrdreg $0xFFFFFFFF  }
0xaf: {  	[dreg:$0x0] =	wrdreg $0x60  }
0xb0: {  	[dreg:$0x2] =	wrdreg s2  }
0xb1: {  	[dreg:$0x3] =	wrdreg s18  }
0xb2: {  	[dreg:$0x4] =	wrdreg s24  }
0xb3: {  	[dreg:$0x5] =	wrdreg s4  }
0xb4: {  	[dreg:$0x6] =	wrdreg $0x9  }
0xb5: {  	_ =	task.clear_ibuf [dreg:s9], $0x7FFFF;
	_ =	strace $0x90000046  }
0xb6: {  	s29 =	simm.s32 $0x9;
	_ =	strace $0x80000048  }
0xb7: {  	_ =	swait.ge [sflag:s29], $0x1  }
0xb8: {  	[sflag:s29] =	ssyncadd.s32 $0xFFFFFFFF  }
0xb9: {  	_ =	strace $0x90000048  }
0xba: {  	_ =	sfence  }
0xbb: {  	s30 =	sld [smem:$0x0];
	_ =	sdelay $0x2  }
0xbc: {  	s31 =	sshll.u32 s1, $0xD;
	s1 =	sshrl.u32 s1, $0x2  }
0xbd: {  	s3 =	sand.u32 $0x4000, s31;
	s1 =	sadd.s32 s1, s30  }
0xbe: {  	s0 =	sor.u32 s3, s0;
	s1 =	sshll.u32 s1, $0x11  }
0xbf: {  	s0 =	sor.u32 s1, s0  }
0xc0: {  	s0 =	sadd.s32 $0x8F2B, s0  }
0xc1: {  	[sflag:s0] =	ssyncadd.remote.s32 $0x1  }
0xc2: {  	_ =	sfence.sel $0xFFFF  }
0xc3: {  	[dreg:$0x0] =	wrdreg $0xFFFFFFFF;
	(pc) =	sbr.abs _section_cstart, $3  }
0xc4: {  	[dreg:$0x1] =	wrdreg $0xFFFFFFFF  }
0xc5: {  	_ =	task.clear_ibuf [dreg:s9], $0x2FFFF;
	_ =	strace $0x9FFFFFFF  }
0xc6: {  	(tm) =	ssettm $0x7FFFFFFF  }
0xc7: {  	_ =	shalt  }
tec
execute0_lowered:
.L_overlay_start_1:
0x0: {  	(tag) =	ssettag $0x1  }
0x1: {  	s5 =	rddreg [dreg:$0x0]  }
0x2: {  	s1 =	rddreg [dreg:$0x1]  }
0x3: {  	s4 =	rddreg [dreg:$0x2];
	s2 =	srdreg.scid  }
0x4: {  	s0 =	stileid.u32;
	s9 =	rddreg [dreg:$0x3]  }
0x5: {  	s3 =	simm.s32 $0x0;
	s13 =	simm.s32 $0x1;
	s14 =	simm.s32 $0x80  }
0x6: {  	s15 =	simm.s32 $0x7E80;
	s16 =	simm.s32 $0x7D00;
	s17 =	simm.s32 $0x7F00  }
0x7: {  	s18 =	simm.s32 $0x7D80;
	s19 =	simm.s32 $0x7F80;
	s20 =	simm.s32 $0x7E00  }
0x8: {  	s21 =	simm.s32 $0x8000;
	s22 =	simm.s32 $0x2;
	s23 =	simm.s32 $0x8080  }
0x9: {  	s24 =	simm.s32 $0x5;
	s25 =	simm.s32 $0x4;
	s26 =	simm.s32 $0x0  }
0xa: {  	s6 =	sand.u32 $0x1, s2;
	s7 =	sshll.u32 s0, $0x1;
	[smem:$0x7FF] =	sst s3  }
0xb: {  	s2 =	rddreg [dreg:$0x4];
	s11 =	sor.u32 s6, s7;
	_ =	strace $0x80000047  }
0xc: {  	s6 =	ssub.s32 $0x2, s6;
	s7 =	smul.u32 $0x7A00, s11;
	s8 =	sshll.u32 s11, $0x4  }
0xd: {  	s31 =	sshrl.u32 s6, $0x1;
	s10 =	sshll.u32 s11, $0x6;
	p0 =	sne.s32 s11, $0x1F  }
0xe: {  	s11 =	simm.s32 $0x7C80;
	s8 =	sadd.s32 s8, s4;
	s12 =	ssub.s32 s6, s31  }
0xf: {  	s5 =	sadd.s32 s5, s10;
	s9 =	sadd.s32 s9, s10;
	s30 =	sshrl.u32 s7, $0x3  }
0x10: {  	s7 =	sadd.s32 $0x1E800, s1;
	s8 =	sadd.s32 $0xC00, s8;
	s4 =	sadd.s32 s1, s30  }
0x11: {  	v0 =	vimm.f32 $-Inf;
	s10 =	smax.u32 s12, $0x1;
	s12 =	simm.s32 $0x3D00;
	s6 =	sadd.s32 $0x7A0, s4  }
.LBB2_1:
0x12: {  	[tilespmem:s11], [sflag:$0x1] =	stream.linear.gather [hbm4b:s5+s3], $0x200, $0x38;
	[tilespmem:$0x8100] =	vst v63  }
0x13: {  	_ = 	snop  }
0x14: {  	[tilespmem:s3], [sflag:$0x2] =	stream.linear.gather [hbm4b:s4+s3], $0x3D00, $0x38;
	[tilespmem:$0x8100] =	vst v63  }
0x15: {  	_ = 	snop  }
0x16: {  	[tilespmem:s12], [sflag:$0x2] =	stream.linear.gather [hbm4b:s6+s3], $0x3D00, $0x38;
	[tilespmem:$0x8100] =	vst v63  }
0x17: {  	[tilespmem:$0x7A00] =	vst v0  }
0x18: {  	[tilespmem:$0x7A10] =	vst v0  }
0x19: {  	[tilespmem:$0x7A20] =	vst v0  }
0x1a: {  	[tilespmem:$0x7A30] =	vst v0  }
0x1b: {  	[tilespmem:$0x7A40] =	vst v0  }
0x1c: {  	[tilespmem:$0x7A50] =	vst v0  }
0x1d: {  	[tilespmem:$0x7A60] =	vst v0  }
0x1e: {  	[tilespmem:$0x7A70] =	vst v0  }
0x1f: {  	[tilespmem:$0x7A80] =	vst v0  }
0x20: {  	[tilespmem:$0x7A90] =	vst v0  }
0x21: {  	[tilespmem:$0x7AA0] =	vst v0  }
0x22: {  	[tilespmem:$0x7AB0] =	vst v0  }
0x23: {  	[tilespmem:$0x7AC0] =	vst v0  }
0x24: {  	[tilespmem:$0x7AD0] =	vst v0  }
0x25: {  	[tilespmem:$0x7AE0] =	vst v0  }
0x26: {  	[tilespmem:$0x7AF0] =	vst v0  }
0x27: {  	[tilespmem:$0x7B00] =	vst v0  }
0x28: {  	[tilespmem:$0x7B10] =	vst v0  }
0x29: {  	[tilespmem:$0x7B20] =	vst v0  }
0x2a: {  	[tilespmem:$0x7B30] =	vst v0  }
0x2b: {  	[tilespmem:$0x7B40] =	vst v0  }
0x2c: {  	[tilespmem:$0x7B50] =	vst v0  }
0x2d: {  	[tilespmem:$0x7B60] =	vst v0  }
0x2e: {  	[tilespmem:$0x7B70] =	vst v0  }
0x2f: {  	[tilespmem:$0x7B80] =	vst v0  }
0x30: {  	[tilespmem:$0x7B90] =	vst v0  }
0x31: {  	[tilespmem:$0x7BA0] =	vst v0  }
0x32: {  	[tilespmem:$0x7BB0] =	vst v0  }
0x33: {  	[tilespmem:$0x7BC0] =	vst v0  }
0x34: {  	[tilespmem:$0x7BD0] =	vst v0  }
0x35: {  	[tilespmem:$0x7BE0] =	vst v0  }
0x36: {  	[tilespmem:$0x7BF0] =	vst v0  }
0x37: {  	[tilespmem:$0x7C00] =	vst v0  }
0x38: {  	[tilespmem:$0x7C10] =	vst v0  }
0x39: {  	[tilespmem:$0x7C20] =	vst v0  }
0x3a: {  	[tilespmem:$0x7C30] =	vst v0  }
0x3b: {  	[tilespmem:$0x7C40] =	vst v0  }
0x3c: {  	[tilespmem:$0x7C50] =	vst v0  }
0x3d: {  	[tilespmem:$0x7C60] =	vst v0  }
0x3e: {  	s28 =	simm.s32 @!p0 $0x0;
	s29 =	simm.s32 @!p0 $0x7A00;
	[tilespmem:$0x7C70] =	vst v0  }
0x3f: {  	[tilespmem:s29], [sflag:$0x3] =	stream.linear.gather @!p0 [hbm4b:s7+s28], $0x240, $0x38;
	[tilespmem:$0x8100] =	vst v63  }
0x40: {  	_ =	swait.ge [sflag:s13], $0x200  }
0x41: {  	[sflag:s13] =	ssyncset.done $0x0  }
0x42: {  	[sflag:s13] =	ssyncadd.s32 $0xFFFFFE00  }
0x43: {  	[tilespmem:s15], [sflag:$0x4] =	stream.indirect.gather [hbm4b:s1+s14], $0x1, s11, s14, $0xb8;
	[tilespmem:$0x8100] =	vst v63  }
0x44: {  	_ = 	snop  }
0x45: {  	[tilespmem:s17], [sflag:$0x4] =	stream.indirect.gather [hbm4b:s1+s14], $0x1, s16, s14, $0xb8;
	[tilespmem:$0x8100] =	vst v63  }
0x46: {  	_ = 	snop  }
0x47: {  	[tilespmem:s19], [sflag:$0x4] =	stream.indirect.gather [hbm4b:s1+s14], $0x1, s18, s14, $0xb8;
	[tilespmem:$0x8100] =	vst v63  }
0x48: {  	_ = 	snop  }
0x49: {  	[tilespmem:s21], [sflag:$0x4] =	stream.indirect.gather [hbm4b:s1+s14], $0x1, s20, s14, $0xb8;
	[tilespmem:$0x8100] =	vst v63  }
0x4a: {  	_ =	swait.ge [sflag:s22], $0x3D00  }
0x4b: {  	[sflag:s22] =	ssyncset.done $0x0  }
0x4c: {  	s28 =	simm.s32 $0x40;
	[sflag:s22] =	ssyncadd.s32 $0xFFFFC300  }
0x4d: {  	v1 =	vld [tilespmem:s28+$0x0]  }
0x4e: {  	v2 =	vld [tilespmem:s28+$0xFFFFFFC0]  }
0x4f: {  	v3 =	vld [tilespmem:s28+$0xFFFFFFF0]  }
0x50: {  	v4 =	vld [tilespmem:s28+$0xFFFFFFE0]  }
0x51: {  	v5 =	vld [tilespmem:s28+$0xFFFFFFD0]  }
0x52: {  	v6 =	vld [tilespmem:s28+$0x20]  }
0x53: {  	v7 =	vld [tilespmem:s28+$0x10];
	v1 =	vmul.f32 $1.442695020e+00, v1  }
0x54: {  	v8 =	vld [tilespmem:s28+$0x30];
	s28 =	simm.s32 $0xC0;
	v2 =	vmul.f32 $1.442695020e+00, v2  }
0x55: {  	v3 =	vmul.f32 $1.442695020e+00, v3;
	(erf) = vpow2.f32 v1;
	v1 =	vld [tilespmem:s28+$0x0]  }
0x56: {  	v4 =	vmul.f32 $1.442695020e+00, v4;
	(erf) = vpow2.f32 v2;
	v2 =	vld [tilespmem:s28+$0xFFFFFFC0]  }
0x57: {  	v9 =	vld [tilespmem:s28+$0xFFFFFFF0];
	v5 =	vmul.f32 $1.442695020e+00, v5;
	v6 =	vmul.f32 $1.442695020e+00, v6  }
0x58: {  	v7 =	vmul.f32 $1.442695020e+00, v7;
	(erf) = vpow2.f32 v4;
	v4 =	vld [tilespmem:s28+$0xFFFFFFE0]  }
0x59: {  	v8 =	vmul.f32 $1.442695020e+00, v8;
	(erf) = vpow2.f32 v5;
	v5 =	vld [tilespmem:s28+$0xFFFFFFD0]  }
0x5a: {  	(erf) = vpow2.f32 v6;
	v6 =	vld [tilespmem:s28+$0x20];
	v1 =	vmul.f32 $1.442695020e+00, v1  }
0x5b: {  	(erf) = vpow2.f32 v7;
	v7 =	vld [tilespmem:s28+$0x10];
	v2 =	vmul.f32 $1.442695020e+00, v2  }
0x5c: {  	(erf) = vpow2.f32 v8;
	v8 =	vmul.f32 $1.442695020e+00, v9;
	v9 =	vld [tilespmem:s28+$0x30];
	s28 =	simm.s32 $0x140  }
0x5d: {  	(erf) = vpow2.f32 v1;
	v1 =	vld [tilespmem:s28+$0x0];
	v4 =	vmul.f32 $1.442695020e+00, v4  }
0x5e: {  	v10 =	vld [tilespmem:s28+$0xFFFFFFC0];
	(erf) = vpow2.f32 v2;
	v5 =	vmul.f32 $1.442695020e+00, v5  }
0x5f: {  	v11 =	vld [tilespmem:s28+$0xFFFFFFF0];
	(erf) = vpow2.f32 v3;
	v6 =	vmul.f32 $1.442695020e+00, v6  }
0x60: {  	v12 =	vld [tilespmem:s28+$0xFFFFFFE0];
	v2 =	vpop (erf);
	(erf) = vpow2.f32 v4;
	v7 =	vmul.f32 $1.442695020e+00, v7  }
0x61: {  	v4 =	vimm.f32 $0.0e+00;
	v3 =	vpop (erf);
	(erf) = vpow2.f32 v5;
	v9 =	vmul.f32 $1.442695020e+00, v9  }
0x62: {  	v14 =	vld [tilespmem:s28+$0x20];
	v5 =	vpop (erf);
	v3 =	vadd.f32 v3, v4;
	(erf) = vpow2.f32 v6;
	v1 =	vmul.f32 $1.442695020e+00, v1  }
0x63: {  	v13 =	vld [tilespmem:s28+$0xFFFFFFD0];
	v10 =	vmul.f32 $1.442695020e+00, v10;
	v6 =	vpop (erf);
	(erf) = vpow2.f32 v7  }
0x64: {  	v16 =	vld [tilespmem:s28+$0x30];
	v7 =	vpop (erf);
	v3 =	vadd.f32 v2, v3;
	(erf) = vpow2.f32 v9;
	v2 =	vmul.f32 $1.442695020e+00, v11  }
0x65: {  	v15 =	vld [tilespmem:s28+$0x10];
	s28 =	simm.s32 $0x1C0;
	v6 =	vadd.f32 v6, v4;
	v11 =	vmul.f32 $1.442695020e+00, v12;
	v9 =	vpop (erf);
	(erf) = vpow2.f32 v1  }
0x66: {  	v19 =	vld [tilespmem:s28+$0xFFFFFFC0];
	v5 =	vadd.f32 v5, v4;
	v1 =	vpop (erf);
	(erf) = vpow2.f32 v10  }
0x67: {  	v17 =	vld [tilespmem:s28+$0x0];
	v18 =	vpop (erf);
	(erf) = vpow2.f32 v8;
	v8 =	vadd.f32 v9, v6;
	v9 =	vmul.f32 $1.442695020e+00, v14  }
0x68: {  	v7 =	vadd.f32 v7, v5;
	v5 =	vmul.f32 $1.442695020e+00, v13;
	v10 =	vpop (erf)  }
0x69: {  	v16 =	vmul.f32 $1.442695020e+00, v16;
	v6 =	vld [tilespmem:s28+$0xFFFFFFF0];
	(erf) = vpow2.f32 v11;
	v11 =	vpop (erf)  }
0x6a: {  	v13 =	vmul.f32 $1.442695020e+00, v15;
	v3 =	vadd.f32 v10, v3;
	v10 =	vld [tilespmem:s28+$0xFFFFFFE0];
	(erf) = vpow2.f32 v5;
	v12 =	vpop (erf)  }
0x6b: {  	v15 =	vmul.f32 $1.442695020e+00, v19;
	v5 =	vadd.f32 v11, v4;
	v11 =	vld [tilespmem:s28+$0xFFFFFFD0];
	(erf) = vpow2.f32 v9;
	v9 =	vpop (erf)  }
0x6c: {  	v14 =	vmul.f32 $1.442695020e+00, v17;
	v4 =	vadd.f32 v12, v7;
	v12 =	vld [tilespmem:s28+$0x20];
	(erf) = vpow2.f32 v13;
	v7 =	vpop (erf)  }
0x6d: {  	s29 =	simm.s32 $0x180;
	v3 =	vadd.f32 v18, v3;
	v13 =	vld [tilespmem:s28+$0x10];
	(erf) = vpow2.f32 v16;
	v8 =	vadd.f32 v9, v8;
	v9 =	vpop (erf)  }
.LBB2_2:
0x6e: {  	(erf) = vpow2.f32 v14  }
0x6f: {  	s29 =	sadd.s32 $0x80, s29;
	v16 =	vld [tilespmem:s28+$0x30];
	s28 =	sadd.s32 $0x80, s28;
	v5 =	vadd.f32 v1, v5;
	v1 =	vpop (erf);
	v14 =	vmov v2;
	v2 =	vmul.f32 $1.442695020e+00, v6  }
0x70: {  	v4 =	vadd.f32 v7, v4;
	v17 =	vld [tilespmem:s28+$0x0];
	p1 =	slt.u32 s29, $0x3C80;
	v10 =	vmul.f32 $1.442695020e+00, v10;
	(erf) = vpow2.f32 v15;
	v15 =	vpop (erf)  }
0x71: {  	v8 =	vadd.f32 v9, v8;
	v18 =	vld [tilespmem:s28+$0xFFFFFFC0];
	v19 =	vmul.f32 $1.442695020e+00, v11;
	v11 =	vpop (erf);
	(erf) = vpow2.f32 v14  }
.Ltmp0:
0x72: {  	v12 =	vmul.f32 $1.442695020e+00, v12;
	v3 =	vadd.f32 v11, v3;
	v6 =	vld [tilespmem:s28+$0xFFFFFFF0];
	(erf) = vpow2.f32 v10;
	v11 =	vpop (erf);
	(pc) =	sbr.rel @p1 .LBB2_2-.Ltmp0, $4  }
0x73: {  	v13 =	vmul.f32 $1.442695020e+00, v13;
	v10 =	vld [tilespmem:s28+$0xFFFFFFE0];
	(erf) = vpow2.f32 v19;
	v7 =	vpop (erf);
	v5 =	vadd.f32 v11, v5  }
0x74: {  	v16 =	vmul.f32 $1.442695020e+00, v16;
	v11 =	vld [tilespmem:s28+$0xFFFFFFD0];
	(erf) = vpow2.f32 v12;
	v4 =	vadd.f32 v7, v4;
	v9 =	vpop (erf)  }
0x75: {  	v3 =	vadd.f32 v15, v3;
	v14 =	vmul.f32 $1.442695020e+00, v17;
	v12 =	vld [tilespmem:s28+$0x20];
	(erf) = vpow2.f32 v13;
	v7 =	vpop (erf)  }
0x76: {  	v15 =	vmul.f32 $1.442695020e+00, v18;
	v8 =	vadd.f32 v9, v8;
	v13 =	vld [tilespmem:s28+$0x10];
	(erf) = vpow2.f32 v16;
	v9 =	vpop (erf)  }
0x77: {  	v16 =	vld [tilespmem:s28+$0x30]  }
0x78: {  	(erf) = vpow2.f32 v14;
	v10 =	vmul.f32 $1.442695020e+00, v10  }
0x79: {  	v14 =	vpop (erf);
	(erf) = vpow2.f32 v15;
	v11 =	vmul.f32 $1.442695020e+00, v11  }
0x7a: {  	v15 =	vpop (erf);
	(erf) = vpow2.f32 v2;
	v2 =	vmul.f32 $1.442695020e+00, v12  }
0x7b: {  	v17 =	vpop (erf);
	v12 =	vmul.f32 $1.442695020e+00, v13  }
0x7c: {  	(erf) = vpow2.f32 v10;
	v10 =	vpop (erf);
	v13 =	vmul.f32 $1.442695020e+00, v16  }
0x7d: {  	(erf) = vpow2.f32 v11;
	v11 =	vpop (erf)  }
0x7e: {  	v6 =	vmul.f32 $1.442695020e+00, v6;
	(erf) = vpow2.f32 v2;
	v2 =	vpop (erf)  }
0x7f: {  	(erf) = vpow2.f32 v12;
	v12 =	vpop (erf)  }
0x80: {  	(erf) = vpow2.f32 v13;
	v13 =	vpop (erf)  }
0x81: {  	(erf) = vpow2.f32 v6;
	v16 =	vpop (erf)  }
0x82: {  	v6 =	vpop (erf)  }
0x83: {  	v18 =	vpop (erf)  }
0x84: {  	v19 =	vpop (erf)  }
0x85: {  	v20 =	vpop (erf)  }
0x86: {  	v21 =	vpop (erf)  }
0x87: {  	v22 =	vpop (erf)  }
0x88: {  	v23 =	vpop (erf)  }
0x89: {  	v24 =	vpop (erf)  }
0x8a: {  	v25 =	vpop (erf)  }
0x8b: {  	_ =	swait.ge [sflag:s22], $0x3D00  }
0x8c: {  	[sflag:s22] =	ssyncset.done $0x0  }
0x8d: {  	s28 =	simm.s32 @!p0 $0x3;
	[sflag:s22] =	ssyncadd.s32 $0xFFFFC300  }
0x8e: {  	_ =	swait.ge @!p0 [sflag:s28], $0x240  }
0x8f: {  	[sflag:s28] =	ssyncset.done @!p0 $0x0  }
0x90: {  	[sflag:s28] =	ssyncadd.s32 @!p0 $0xFFFFFDC0;
	s28 =	simm.s32 $0x3D70  }
0x91: {  	v26 =	vld [tilespmem:s28+$0xFFFFFFD0]  }
0x92: {  	v27 =	vld [tilespmem:s28+$0xFFFFFF90]  }
0x93: {  	v1 =	vadd.f32 v1, v5;
	v5 =	vld [tilespmem:s28+$0xFFFFFFB0]  }
0x94: {  	v4 =	vadd.f32 v7, v4;
	v7 =	vadd.f32 v9, v8;
	v8 =	vld [tilespmem:s28+$0xFFFFFFA0]  }
0x95: {  	v9 =	vld [tilespmem:s28+$0xFFFFFFF0]  }
0x96: {  	v3 =	vadd.f32 v17, v3;
	v2 =	vadd.f32 v2, v7;
	v28 =	vld [tilespmem:s28+$0xFFFFFFC0];
	v7 =	vmul.f32 $1.442695020e+00, v26  }
0x97: {  	v1 =	vadd.f32 v10, v1;
	v4 =	vadd.f32 v11, v4;
	v10 =	vld [tilespmem:s28+$0xFFFFFFE0];
	v11 =	vmul.f32 $1.442695020e+00, v27  }
0x98: {  	v3 =	vadd.f32 v15, v3;
	v15 =	vld [tilespmem:s28+$0x0];
	s28 =	simm.s32 $0x3DF0;
	v5 =	vmul.f32 $1.442695020e+00, v5;
	(erf) = vpow2.f32 v7  }
0x99: {  	v8 =	vmul.f32 $1.442695020e+00, v8;
	v7 =	vld [tilespmem:s28+$0xFFFFFFD0];
	(erf) = vpow2.f32 v11  }
0x9a: {  	v9 =	vmul.f32 $1.442695020e+00, v9;
	v11 =	vld [tilespmem:s28+$0xFFFFFF90];
	(erf) = vpow2.f32 v5  }
0x9b: {  	v1 =	vadd.f32 v14, v1;
	v4 =	vadd.f32 v12, v4;
	v5 =	vld [tilespmem:s28+$0xFFFFFFC0];
	(erf) = vpow2.f32 v8  }
0x9c: {  	v2 =	vadd.f32 v13, v2;
	v3 =	vadd.f32 v18, v3;
	(erf) = vpow2.f32 v9;
	v9 =	vld [tilespmem:s28+$0xFFFFFFA0]  }
0x9d: {  	v1 =	vadd.f32 v19, v1;
	v4 =	vadd.f32 v20, v4;
	v10 =	vmul.f32 $1.442695020e+00, v10;
	v8 =	vld [tilespmem:s28+$0xFFFFFFB0]  }
0x9e: {  	v3 =	vadd.f32 v6, v3;
	v12 =	vmul.f32 $1.442695020e+00, v15;
	v6 =	vmul.f32 $1.442695020e+00, v7;
	v7 =	vld [tilespmem:s28+$0xFFFFFFF0]  }
0x9f: {  	v2 =	vadd.f32 v21, v2;
	(erf) = vpow2.f32 v10;
	v10 =	vmul.f32 $1.442695020e+00, v11;
	v11 =	vld [tilespmem:s28+$0xFFFFFFE0]  }
0xa0: {  	v1 =	vadd.f32 v16, v1;
	v14 =	vmul.f32 $1.442695020e+00, v28;
	(erf) = vpow2.f32 v12;
	v12 =	vld [tilespmem:s28+$0x0];
	s28 =	simm.s32 $0x3E70  }
0xa1: {  	v4 =	vadd.f32 v22, v4;
	(erf) = vpow2.f32 v6;
	v6 =	vld [tilespmem:s28+$0xFFFFFFD0];
	v9 =	vmul.f32 $1.442695020e+00, v9  }
0xa2: {  	v1 =	vadd.f32 v25, v1;
	v13 =	vld [tilespmem:s28+$0xFFFFFF90];
	v8 =	vmul.f32 $1.442695020e+00, v8;
	(erf) = vpow2.f32 v10  }
0xa3: {  	v2 =	vadd.f32 v23, v2;
	v15 =	vld [tilespmem:s28+$0xFFFFFFC0];
	(erf) = vpow2.f32 v14;
	v10 =	vpop (erf);
	v7 =	vmul.f32 $1.442695020e+00, v7  }
0xa4: {  	v16 =	vld [tilespmem:s28+$0xFFFFFFB0];
	(erf) = vpow2.f32 v8;
	v8 =	vadd.f32 v24, v1;
	v14 =	vpop (erf);
	v1 =	vmul.f32 $1.442695020e+00, v11  }
0xa5: {  	(erf) = vpow2.f32 v9;
	v11 =	vld [tilespmem:s28+$0xFFFFFFA0];
	v12 =	vmul.f32 $1.442695020e+00, v12;
	v3 =	vadd.f32 v14, v3;
	v9 =	vpop (erf)  }
0xa6: {  	v6 =	vmul.f32 $1.442695020e+00, v6;
	(erf) = vpow2.f32 v7;
	v4 =	vadd.f32 v9, v4  }
0xa7: {  	v7 =	vpop (erf);
	v9 =	vld [tilespmem:s28+$0xFFFFFFF0];
	(erf) = vpow2.f32 v1;
	v10 =	vadd.f32 v10, v3;
	v3 =	vmul.f32 $1.442695020e+00, v13  }
0xa8: {  	v13 =	vld [tilespmem:s28+$0xFFFFFFE0];
	v14 =	vpop (erf);
	(erf) = vpow2.f32 v12;
	v7 =	vadd.f32 v7, v2;
	v2 =	vmul.f32 $1.442695020e+00, v15  }
0xa9: {  	v15 =	vld [tilespmem:s28+$0x0];
	s28 =	simm.s32 $0x3EF0;
	v12 =	vpop (erf);
	(erf) = vpow2.f32 v6;
	v6 =	vmul.f32 $1.442695020e+00, v16  }
0xaa: {  	v5 =	vmul.f32 $1.442695020e+00, v5;
	v17 =	vld [tilespmem:s28+$0xFFFFFFD0];
	v11 =	vmul.f32 $1.442695020e+00, v11;
	v1 =	vpop (erf)  }
0xab: {  	v61 =	vld [tilespmem:s28+$0xFFFFFF90];
	(erf) = vpow2.f32 v3;
	v16 =	vpop (erf)  }
0xac: {  	v4 =	vadd.f32 v14, v4;
	(erf) = vpow2.f32 v5;
	v14 =	vpop (erf);
	v5 =	vmul.f32 $1.442695020e+00, v9  }
0xad: {  	v62 =	vadd.f32 v12, v7;
	v3 =	vld [tilespmem:s28+$0xFFFFFFC0];
	(erf) = vpow2.f32 v6;
	v13 =	vmul.f32 $1.442695020e+00, v13;
	v6 =	vpop (erf)  }
0xae: {  	v7 =	vld [tilespmem:s28+$0xFFFFFFB0];
	v10 =	vadd.f32 v14, v10;
	(erf) = vpow2.f32 v11;
	v63 =	vmul.f32 $1.442695020e+00, v15;
	v11 =	vpop (erf)  }
0xaf: {  	v12 =	vld [tilespmem:s28+$0xFFFFFFF0];
	(erf) = vpow2.f32 v5;
	v14 =	vmul.f32 $1.442695020e+00, v17;
	v5 =	vadd.f32 v11, v4;
	v11 =	vpop (erf)  }
0xb0: {  	v9 =	vld [tilespmem:s28+$0xFFFFFFA0];
	v6 =	vadd.f32 v6, v8;
	v15 =	vmul.f32 $1.442695020e+00, v61;
	(erf) = vpow2.f32 v13;
	v8 =	vpop (erf)  }
0xb1: {  	s29 =	simm.s32 $0x3E80;
	v4 =	vadd.f32 v16, v10;
	v13 =	vld [tilespmem:s28+$0xFFFFFFE0];
	(erf) = vpow2.f32 v63;
	v10 =	vadd.f32 v11, v62;
	v11 =	vpop (erf)  }
.LBB2_4:
0xb2: {  	(erf) = vpow2.f32 v14  }
0xb3: {  	s29 =	sadd.s32 $0x80, s29;
	v16 =	vld [tilespmem:s28+$0x0];
	s28 =	sadd.s32 $0x80, s28;
	v6 =	vadd.f32 v1, v6;
	v1 =	vpop (erf);
	v14 =	vmov v2;
	v2 =	vmul.f32 $1.442695020e+00, v3  }
0xb4: {  	v5 =	vadd.f32 v8, v5;
	v17 =	vld [tilespmem:s28+$0xFFFFFFD0];
	p1 =	slt.u32 s29, $0x7C00;
	v7 =	vmul.f32 $1.442695020e+00, v7;
	(erf) = vpow2.f32 v15;
	v15 =	vpop (erf)  }
0xb5: {  	v10 =	vadd.f32 v11, v10;
	v18 =	vld [tilespmem:s28+$0xFFFFFF90];
	v19 =	vmul.f32 $1.442695020e+00, v9;
	v9 =	vpop (erf);
	(erf) = vpow2.f32 v14  }
.Ltmp1:
0xb6: {  	v12 =	vmul.f32 $1.442695020e+00, v12;
	v4 =	vadd.f32 v9, v4;
	v3 =	vld [tilespmem:s28+$0xFFFFFFC0];
	(erf) = vpow2.f32 v7;
	v9 =	vpop (erf);
	(pc) =	sbr.rel @p1 .LBB2_4-.Ltmp1, $4  }
0xb7: {  	v13 =	vmul.f32 $1.442695020e+00, v13;
	v7 =	vld [tilespmem:s28+$0xFFFFFFB0];
	(erf) = vpow2.f32 v19;
	v8 =	vpop (erf);
	v6 =	vadd.f32 v9, v6  }
0xb8: {  	v16 =	vmul.f32 $1.442695020e+00, v16;
	v9 =	vld [tilespmem:s28+$0xFFFFFFA0];
	(erf) = vpow2.f32 v12;
	v5 =	vadd.f32 v8, v5;
	v11 =	vpop (erf)  }
0xb9: {  	v4 =	vadd.f32 v15, v4;
	v14 =	vmul.f32 $1.442695020e+00, v17;
	v12 =	vld [tilespmem:s28+$0xFFFFFFF0];
	(erf) = vpow2.f32 v13;
	v8 =	vpop (erf)  }
0xba: {  	v15 =	vmul.f32 $1.442695020e+00, v18;
	v10 =	vadd.f32 v11, v10;
	v13 =	vld [tilespmem:s28+$0xFFFFFFE0];
	(erf) = vpow2.f32 v16;
	v11 =	vpop (erf)  }
0xbb: {  	v16 =	vld [tilespmem:s28+$0x0];
	(erf) = vpow2.f32 v14;
	v45 =	vpop (erf);
	v3 =	vmul.f32 $1.442695020e+00, v3  }
0xbc: {  	v7 =	vmul.f32 $1.442695020e+00, v7;
	(erf) = vpow2.f32 v15;
	v46 =	vpop (erf)  }
0xbd: {  	v9 =	vmul.f32 $1.442695020e+00, v9;
	(erf) = vpow2.f32 v2;
	v2 =	vpop (erf)  }
0xbe: {  	v12 =	vmul.f32 $1.442695020e+00, v12;
	(erf) = vpow2.f32 v7;
	v47 =	vpop (erf)  }
0xbf: {  	v13 =	vmul.f32 $1.442695020e+00, v13;
	(erf) = vpow2.f32 v9;
	v48 =	vpop (erf)  }
0xc0: {  	v16 =	vmul.f32 $1.442695020e+00, v16;
	(erf) = vpow2.f32 v12;
	v49 =	vpop (erf)  }
0xc1: {  	(erf) = vpow2.f32 v13;
	v50 =	vpop (erf)  }
0xc2: {  	(erf) = vpow2.f32 v16;
	v51 =	vpop (erf)  }
0xc3: {  	v1 =	vadd.f32 v1, v6;
	v52 =	vpop (erf);
	(erf) = vpow2.f32 v3  }
0xc4: {  	v3 =	vpop (erf)  }
0xc5: {  	v1 =	vadd.f32 v47, v1;
	v53 =	vpop (erf)  }
0xc6: {  	v5 =	vadd.f32 v8, v5;
	v54 =	vpop (erf)  }
0xc7: {  	v10 =	vadd.f32 v11, v10;
	v1 =	vadd.f32 v45, v1;
	v55 =	vpop (erf)  }
0xc8: {  	v2 =	vadd.f32 v2, v4;
	v56 =	vadd.f32 v48, v5;
	v57 =	vpop (erf)  }
0xc9: {  	v58 =	vadd.f32 v49, v10;
	v1 =	vadd.f32 v54, v1;
	v59 =	vpop (erf)  }
0xca: {  	v2 =	vadd.f32 v46, v2;
	v4 =	vadd.f32 v50, v56;
	v60 =	vpop (erf)  }
0xcb: {  	v9 =	vadd.f32 v51, v58;
	v1 =	vadd.f32 v52, v1;
	v61 =	vpop (erf)  }
0xcc: {  	v2 =	vadd.f32 v53, v2;
	v4 =	vadd.f32 v55, v4;
	v62 =	vpop (erf)  }
0xcd: {  	v5 =	vadd.f32 v57, v9;
	v1 =	vadd.f32 v62, v1  }
0xce: {  	v2 =	vadd.f32 v3, v2;
	v3 =	vadd.f32 v59, v4  }
0xcf: {  	v63 =	vadd.f32 v60, v5;
	v1 =	vadd.f32 v61, v1;
	_ =	sdelay $0x1  }
0xd0: {  	v2 =	vadd.f32 v63, v2;
	v1 =	vadd.f32 v1, v3;
	_ =	sdelay $0x1  }
0xd1: {  	v1 =	vadd.f32 v1, v2;
	_ =	sdelay $0x1  }
0xd2: {  	[tilespmem:$0x8080] =	vst v1  }
0xd3: {  	[hbm4b:s8+s3] =	stream.linear.scatter [tilespmem:s23], [sflag:$0x5], $0x80, $0x38;
	[tilespmem:$0x8100] =	vst v63  }
0xd4: {  	_ =	swait.ge [sflag:s24], $0x80  }
0xd5: {  	[sflag:s24] =	ssyncset.done $0x0  }
0xd6: {  	[sflag:s24] =	ssyncadd.s32 $0xFFFFFF80  }
0xd7: {  	_ =	swait.ge [sflag:s25], $0x80  }
0xd8: {  	[sflag:s25] =	ssyncset.done $0x0  }
0xd9: {  	[sflag:s25] =	ssyncadd.s32 $0xFFFFFF80  }
0xda: {  	_ =	swait.ge [sflag:s25], $0x80  }
0xdb: {  	[sflag:s25] =	ssyncset.done $0x0  }
0xdc: {  	[sflag:s25] =	ssyncadd.s32 $0xFFFFFF80  }
0xdd: {  	_ =	swait.ge [sflag:s25], $0x80  }
0xde: {  	[sflag:s25] =	ssyncset.done $0x0  }
0xdf: {  	[sflag:s25] =	ssyncadd.s32 $0xFFFFFF80  }
0xe0: {  	s26 =	sadd.s32 $0x1, s26;
	_ =	swait.ge [sflag:s25], $0x80  }
0xe1: {  	p1 =	sne.s32 s26, s10;
	[sflag:s25] =	ssyncset.done $0x0  }
.Ltmp2:
0xe2: {  	[sflag:s25] =	ssyncadd.s32 $0xFFFFFF80;
	(pc) =	sbr.rel @p1 .LBB2_1-.Ltmp2, $4  }
0xe3: {  	[hbm4b:s9+s3] =	stream.linear.scatter [tilespmem:s15], [sflag:$0x5], $0x200, $0x38;
	[tilespmem:$0x8100] =	vst v63  }
0xe4: {  	_ =	swait.ge [sflag:s24], $0x200  }
0xe5: {  	[sflag:s24] =	ssyncset.done $0x0  }
0xe6: {  	[sflag:s24] =	ssyncadd.s32 $0xFFFFFE00  }
0xe7: {  	_ =	sfence.sel $0x180000  }
0xe8: {  	[bflag:$0x0] =	sbarrier.arrive $0xFFFF  }
0xe9: {  	p0 =	sne.s32 s0, $0x0;
	_ =	strace $0x90000047  }
0xea: {  	s0 =	sadd.s32 @!p0 $0x100000, s2;
	[bflag:$0x2] =	sbarrier.arrive $0xFFFF  }
0xeb: {  	[sflag:s0] =	ssyncadd.tile.s32 @!p0 $0x1;
	_ =	shalt  }
.Lfunc_end2:
_tile_overlayer_lowered:
.L_overlay_start_2:
0xec: {  	(tag) =	ssettag $0x2  }
0xed: {  	s0 =	rddreg [dreg:$0x0];
	s2 =	stileid.u32  }
0xee: {  	s1 =	rddreg [dreg:$0x1];
	p0 =	sne.s32 s2, $0x0  }
0xef: {  	s3 =	rddreg [dreg:$0x2];
	[bflag:$0x3] =	sbarrier.arrive $0xFFFF;
	s2 =	simm.s32 @!p0 $0x1C05  }
0xf0: {  	[timem:s3], [sflag:s2] =	dma.local @!p0 [hbm:s0], s1  }
0xf1: {  	s0 =	simm.s32 @!p0 $0x5  }
0xf2: {  	_ =	swait.ge @!p0 [sflag:s0], s1  }
0xf3: {  	s1 =	ssub.s32 @!p0 $0x0, s1;
	[sflag:s0] =	ssyncset.done @!p0 $0x0  }
0xf4: {  	[sflag:s0] =	ssyncadd.s32 @!p0 s1  }
0xf5: {  	[bflag:$0x3] =	sbarrier.arrive $0xFFFF  }
0xf6: {  	_ =	shalt  }

</sc_bundles>
